<compile_context>
chip_gen: v7x
topology: tpu7x:2x2x1
jax: 0.10.2.dev20260603
libtpu: 0.0.44.dev20260713+nightly
codegen_flags: <defaults>
</compile_context>

<pallas_src>
import functools

import jax
import jax.numpy as jnp
from jax import lax
from jax.experimental import pallas as pl
from jax.experimental.pallas import tpu as pltpu
from jax.experimental.pallas import tpu_sc as plsc

NC = 2
NS = 16
K = 128
BN_EPS = 1e-5


def _cdiv(a, b):
    return (a + b - 1) // b


def _pad_rows(n):
    return _cdiv(n, NS * 8) * (NS * 8)



def _sc_mesh():
    return plsc.VectorSubcoreMesh(core_axis_name="c", subcore_axis_name="s")


def _zero_acc(acc, zb, s, rows_per_tile, zrows, w):
    zvec = jnp.zeros((16,), jnp.float32)

    def zrow(i, _):
        for t in range(w // 16):
            zb[i, pl.ds(t * 16, 16)] = zvec
        return 0

    lax.fori_loop(0, zrows, zrow, 0)
    base = s * rows_per_tile

    def zcp(i, _):
        pltpu.sync_copy(zb, acc.at[pl.ds(base + i * zrows, zrows)])
        return 0

    lax.fori_loop(0, rows_per_tile // zrows, zcp, 0)


def _make_deg_kernel(n, e):
    nchunks = e // K
    chunks_per_core = nchunks // NC
    per_tile = _cdiv(chunks_per_core, NS)
    np_ = _pad_rows(n)
    rows_per_tile = np_ // NS
    zrows = rows_per_tile // 8

    @functools.partial(
        pl.kernel,
        out_type=jax.ShapeDtypeStruct((NC, np_, 16), jnp.float32),
        mesh=_sc_mesh(),
        compiler_params=pltpu.CompilerParams(use_tc_tiling_on_sc=False),
        scratch_types=[
            pltpu.VMEM_SHARED((np_, 16), jnp.float32),
            pltpu.VMEM((K,), jnp.int32),
            pltpu.VMEM((K, 16), jnp.float32),
            pltpu.VMEM((zrows, 16), jnp.float32),
        ],
    )
    def deg_kernel(dst_hbm, out_hbm, acc, idxb, oneb, zb):
        c = lax.axis_index("c")
        s = lax.axis_index("s")
        onehot0 = jnp.where(lax.iota(jnp.int32, 16) == 0, 1.0, 0.0)

        def orow(i, _):
            oneb[i, :] = onehot0
            return 0

        lax.fori_loop(0, K, orow, 0)
        _zero_acc(acc, zb, s, rows_per_tile, zrows, 16)
        plsc.subcore_barrier()

        cbase = c * chunks_per_core

        def step(i, _):
            jj = s + i * NS

            @pl.when(jj < chunks_per_core)
            def _():
                j = cbase + jj
                pltpu.sync_copy(dst_hbm.at[pl.ds(j * K, K)], idxb)
                pltpu.sync_copy(oneb, acc.at[idxb], add=True)

            return 0

        lax.fori_loop(0, per_tile, step, 0)
        plsc.subcore_barrier()
        base = s * rows_per_tile
        pltpu.sync_copy(acc.at[pl.ds(base, rows_per_tile)],
                        out_hbm.at[c, pl.ds(base, rows_per_tile)])

    return deg_kernel


def _make_agg_kernel(n, e, w, split_edges):
    nchunks = e // K
    chunks_per_core = nchunks // NC if split_edges else nchunks
    per_tile = _cdiv(chunks_per_core, NS)
    np_ = _pad_rows(n)
    rows_per_tile = np_ // NS
    zrows = rows_per_tile // 8

    @functools.partial(
        pl.kernel,
        out_type=jax.ShapeDtypeStruct((NC, np_, w), jnp.float32),
        mesh=_sc_mesh(),
        compiler_params=pltpu.CompilerParams(use_tc_tiling_on_sc=False),
        scratch_types=[
            pltpu.VMEM_SHARED((np_, w), jnp.float32),
            pltpu.VMEM((K,), jnp.int32),
            pltpu.VMEM((K,), jnp.int32),
            pltpu.VMEM((K, w), jnp.float32),
            pltpu.VMEM((zrows, w), jnp.float32),
            pltpu.SemaphoreType.DMA,
        ],
    )
    def agg_kernel(src_hbm, dst_hbm, tab_hbm, out_hbm,
                   acc, srcb, dstb, rowb, zb, sem):
        c = lax.axis_index("c")
        s = lax.axis_index("s")
        _zero_acc(acc, zb, s, rows_per_tile, zrows, w)
        plsc.subcore_barrier()

        cbase = c * chunks_per_core if split_edges else 0

        def step(i, _):
            jj = s + i * NS

            @pl.when(jj < chunks_per_core)
            def _():
                j = cbase + jj
                pltpu.sync_copy(src_hbm.at[pl.ds(j * K, K)], srcb)
                pltpu.sync_copy(dst_hbm.at[pl.ds(j * K, K)], dstb)
                if not split_edges:
                    for t in range(K // 16):
                        srcb[pl.ds(t * 16, 16)] = (
                            srcb[pl.ds(t * 16, 16)] + c * n)
                pltpu.async_copy(tab_hbm.at[srcb], rowb, sem).wait()
                pltpu.sync_copy(rowb, acc.at[dstb], add=True)

            return 0

        lax.fori_loop(0, per_tile, step, 0)
        plsc.subcore_barrier()
        base = s * rows_per_tile
        pltpu.sync_copy(acc.at[pl.ds(base, rows_per_tile)],
                        out_hbm.at[c, pl.ds(base, rows_per_tile)])

    return agg_kernel



def _tc_dinv_t1(degp, xpad, n, r):
    nb = n // r

    def body(degp_ref, x_ref, dinv_ref, t1_ref):
        dp = degp_ref[...]
        deg = dp[0, :, 0:1] + dp[1, :, 0:1] + 1.0
        dinv = lax.rsqrt(deg)
        dinv16 = jnp.broadcast_to(dinv, (r, 16))
        dinv_ref[...] = dinv16
        t1_ref[...] = dinv16 * x_ref[...]

    return pl.pallas_call(
        body,
        grid=(nb,),
        in_specs=[
            pl.BlockSpec((NC, r, 16), lambda i: (0, i, 0)),
            pl.BlockSpec((r, 16), lambda i: (i, 0)),
        ],
        out_specs=[
            pl.BlockSpec((r, 16), lambda i: (i, 0)),
            pl.BlockSpec((r, 16), lambda i: (i, 0)),
        ],
        out_shape=[
            jax.ShapeDtypeStruct((n, 16), jnp.float32),
            jax.ShapeDtypeStruct((n, 16), jnp.float32),
        ],
    )(degp, xpad)


def _tc_layer1(p1, t1, dinv16, W1p, b1r, n, r):
    nb = n // r

    def body(p1_ref, t1_ref, dinv_ref, w_ref, b_ref, h_ref, s_ref, q_ref):
        i = pl.program_id(0)
        p = p1_ref[...]
        accv = p[0] + p[1] + t1_ref[...]
        agg = dinv_ref[...] * accv
        h = jnp.dot(agg, w_ref[...], preferred_element_type=jnp.float32)
        h = jnp.maximum(h + b_ref[...], 0.0)
        h_ref[...] = h

        @pl.when(i == 0)
        def _():
            s_ref[...] = jnp.zeros_like(s_ref)
            q_ref[...] = jnp.zeros_like(q_ref)

        hr = h.reshape(r // 8, 8, 128)
        s_ref[...] += jnp.sum(hr, axis=0)
        q_ref[...] += jnp.sum(hr * hr, axis=0)

    return pl.pallas_call(
        body,
        grid=(nb,),
        in_specs=[
            pl.BlockSpec((NC, r, 16), lambda i: (0, i, 0)),
            pl.BlockSpec((r, 16), lambda i: (i, 0)),
            pl.BlockSpec((r, 16), lambda i: (i, 0)),
            pl.BlockSpec((16, 128), lambda i: (0, 0)),
            pl.BlockSpec((1, 128), lambda i: (0, 0)),
        ],
        out_specs=[
            pl.BlockSpec((r, 128), lambda i: (i, 0)),
            pl.BlockSpec((8, 128), lambda i: (0, 0)),
            pl.BlockSpec((8, 128), lambda i: (0, 0)),
        ],
        out_shape=[
            jax.ShapeDtypeStruct((n, 128), jnp.float32),
            jax.ShapeDtypeStruct((8, 128), jnp.float32),
            jax.ShapeDtypeStruct((8, 128), jnp.float32),
        ],
    )(p1, t1, dinv16, W1p, b1r)


def _tc_bn1_w2(h1, s1, q1, g1r, bt1r, W2, dinv16, n, r):
    nb = n // r
    fn = float(n)

    def body(h_ref, s_ref, q_ref, g_ref, b_ref, w_ref, dinv_ref,
             ta_ref, tb_ref):
        mean = jnp.sum(s_ref[...], axis=0, keepdims=True) / fn
        var = jnp.sum(q_ref[...], axis=0, keepdims=True) / fn - mean * mean
        istd = lax.rsqrt(var + BN_EPS)
        hb = (h_ref[...] - mean) * istd * g_ref[...] + b_ref[...]
        hw = jnp.dot(hb, w_ref[...], preferred_element_type=jnp.float32)
        t2 = dinv_ref[...][:, 0:1] * hw
        ta_ref[...] = t2[:, :32]
        tb_ref[...] = t2[:, 32:]

    return pl.pallas_call(
        body,
        grid=(nb,),
        in_specs=[
            pl.BlockSpec((r, 128), lambda i: (i, 0)),
            pl.BlockSpec((8, 128), lambda i: (0, 0)),
            pl.BlockSpec((8, 128), lambda i: (0, 0)),
            pl.BlockSpec((1, 128), lambda i: (0, 0)),
            pl.BlockSpec((1, 128), lambda i: (0, 0)),
            pl.BlockSpec((128, 64), lambda i: (0, 0)),
            pl.BlockSpec((r, 16), lambda i: (i, 0)),
        ],
        out_specs=[
            pl.BlockSpec((r, 32), lambda i: (i, 0)),
            pl.BlockSpec((r, 32), lambda i: (i, 0)),
        ],
        out_shape=[
            jax.ShapeDtypeStruct((n, 32), jnp.float32),
            jax.ShapeDtypeStruct((n, 32), jnp.float32),
        ],
    )(h1, s1, q1, g1r, bt1r, W2, dinv16)


def _tc_layer2(p2, t2s, dinv16, b2r, n, r):
    nb = n // r

    def body(p2_ref, t2_ref, dinv_ref, b_ref, h_ref, s_ref, q_ref):
        i = pl.program_id(1)
        accv = p2_ref[...][0] + t2_ref[...]
        h = dinv_ref[...][:, 0:1] * accv + b_ref[...][0]
        h = jnp.maximum(h, 0.0)
        h_ref[...] = h[None]

        @pl.when(i == 0)
        def _():
            s_ref[...] = jnp.zeros_like(s_ref)
            q_ref[...] = jnp.zeros_like(q_ref)

        hr = h.reshape(r // 8, 8, 32)
        s_ref[...] += jnp.sum(hr, axis=0)[None]
        q_ref[...] += jnp.sum(hr * hr, axis=0)[None]

    return pl.pallas_call(
        body,
        grid=(NC, nb),
        in_specs=[
            pl.BlockSpec((1, r, 32), lambda c, i: (c, i, 0)),
            pl.BlockSpec((r, 32), lambda c, i: (c * nb + i, 0)),
            pl.BlockSpec((r, 16), lambda c, i: (i, 0)),
            pl.BlockSpec((1, 1, 32), lambda c, i: (c, 0, 0)),
        ],
        out_specs=[
            pl.BlockSpec((1, r, 32), lambda c, i: (c, i, 0)),
            pl.BlockSpec((1, 8, 32), lambda c, i: (c, 0, 0)),
            pl.BlockSpec((1, 8, 32), lambda c, i: (c, 0, 0)),
        ],
        out_shape=[
            jax.ShapeDtypeStruct((NC, n, 32), jnp.float32),
            jax.ShapeDtypeStruct((NC, 8, 32), jnp.float32),
            jax.ShapeDtypeStruct((NC, 8, 32), jnp.float32),
        ],
    )(p2, t2s, dinv16, b2r)


def _tc_bn2_pool(h2, s2, q2, g2r, bt2r, batch3, n, r, g):
    nb = n // r
    fn = float(n)

    def body(h_ref, s_ref, q_ref, g_ref, b_ref, bat_ref, p_ref):
        i = pl.program_id(1)
        mean = jnp.sum(s_ref[...][0], axis=0, keepdims=True) / fn
        var = jnp.sum(q_ref[...][0], axis=0, keepdims=True) / fn - mean * mean
        istd = lax.rsqrt(var + BN_EPS)
        hb = (h_ref[...][0] - mean) * istd * g_ref[...][0] + b_ref[...][0]
        bat = bat_ref[...][0]
        oh = (lax.broadcasted_iota(jnp.int32, (g, r), 0) == bat
              ).astype(jnp.float32)

        @pl.when(i == 0)
        def _():
            p_ref[...] = jnp.zeros_like(p_ref)

        p_ref[...] += jnp.dot(oh, hb, preferred_element_type=jnp.float32)[None]

    return pl.pallas_call(
        body,
        grid=(NC, nb),
        in_specs=[
            pl.BlockSpec((1, r, 32), lambda c, i: (c, i, 0)),
            pl.BlockSpec((1, 8, 32), lambda c, i: (c, 0, 0)),
            pl.BlockSpec((1, 8, 32), lambda c, i: (c, 0, 0)),
            pl.BlockSpec((1, 1, 32), lambda c, i: (c, 0, 0)),
            pl.BlockSpec((1, 1, 32), lambda c, i: (c, 0, 0)),
            pl.BlockSpec((1, 1, r), lambda c, i: (i, 0, 0)),
        ],
        out_specs=pl.BlockSpec((1, g, 32), lambda c, i: (c, 0, 0)),
        out_shape=jax.ShapeDtypeStruct((NC, g, 32), jnp.float32),
    )(h2, s2, q2, g2r, bt2r, batch3)


def _tc_head(pooled, fcW1, fcb1r, g3r, bt3r, fcW2, fcb2r, fcW3p, fcb3p, g):
    fg = float(g)

    def body(p_ref, w1_ref, b1_ref, g3_ref, bt3_ref, w2_ref, b2_ref,
             w3_ref, b3_ref, o_ref):
        p = jnp.dot(p_ref[...], w1_ref[...],
                    preferred_element_type=jnp.float32)
        p = jnp.maximum(p + b1_ref[...], 0.0)
        mean = jnp.sum(p, axis=0, keepdims=True) / fg
        var = jnp.sum(p * p, axis=0, keepdims=True) / fg - mean * mean
        p = (p - mean) * lax.rsqrt(var + BN_EPS) * g3_ref[...] + bt3_ref[...]
        p = jnp.dot(p, w2_ref[...], preferred_element_type=jnp.float32)
        p = jnp.maximum(p + b2_ref[...], 0.0)
        z = jnp.dot(p, w3_ref[...],
                    preferred_element_type=jnp.float32) + b3_ref[...]
        m = jnp.max(z, axis=1, keepdims=True)
        lse = m + jnp.log(jnp.sum(jnp.exp(z - m), axis=1, keepdims=True))
        o_ref[...] = z - lse

    return pl.pallas_call(
        body,
        in_specs=[
            pl.BlockSpec((g, 64), lambda: (0, 0)),
            pl.BlockSpec((64, 64), lambda: (0, 0)),
            pl.BlockSpec((1, 64), lambda: (0, 0)),
            pl.BlockSpec((1, 64), lambda: (0, 0)),
            pl.BlockSpec((1, 64), lambda: (0, 0)),
            pl.BlockSpec((64, 64), lambda: (0, 0)),
            pl.BlockSpec((1, 64), lambda: (0, 0)),
            pl.BlockSpec((64, 128), lambda: (0, 0)),
            pl.BlockSpec((1, 128), lambda: (0, 0)),
        ],
        out_specs=pl.BlockSpec((g, 128), lambda: (0, 0)),
        out_shape=jax.ShapeDtypeStruct((g, 128), jnp.float32),
    )(pooled, fcW1, fcb1r, g3r, bt3r, fcW2, fcb2r, fcW3p, fcb3p)



def kernel(x, edge_index, batch, W1, b1, g1, bt1, W2, b2, g2, bt2,
           fcW1, fcb1, g3, bt3, fcW2, fcb2, fcW3, fcb3):
    n, f0 = x.shape
    e = edge_index.shape[1]
    g = 64
    r = 400

    ei = edge_index.astype(jnp.int32)
    src = ei[0]
    dst = ei[1]

    degp = _make_deg_kernel(n, e)(dst)

    xpad = jnp.pad(x, ((0, 0), (0, 16 - f0)))
    dinv16, t1 = _tc_dinv_t1(degp, xpad, n, r)

    p1 = _make_agg_kernel(n, e, 16, split_edges=True)(src, dst, t1)

    W1p = jnp.pad(W1, ((0, 16 - f0), (0, 0)))
    h1, s1, q1 = _tc_layer1(p1, t1, dinv16, W1p, b1.reshape(1, -1), n, r)

    t2a, t2b = _tc_bn1_w2(h1, s1, q1, g1.reshape(1, -1), bt1.reshape(1, -1),
                          W2, dinv16, n, r)
    t2s = jnp.concatenate([t2a, t2b], axis=0)

    p2 = _make_agg_kernel(n, e, 32, split_edges=False)(src, dst, t2s)

    h2, s2, q2 = _tc_layer2(p2, t2s, dinv16, b2.reshape(NC, 1, 32), n, r)

    batch3 = batch.astype(jnp.int32).reshape(n // r, 1, r)
    pooled2 = _tc_bn2_pool(h2, s2, q2, g2.reshape(NC, 1, 32),
                           bt2.reshape(NC, 1, 32), batch3, n, r, g)
    pooled = jnp.concatenate([pooled2[0], pooled2[1]], axis=1)

    nclass = fcW3.shape[1]
    fcW3p = jnp.pad(fcW3, ((0, 0), (0, 128 - nclass)))
    fcb3p = jnp.pad(fcb3.reshape(1, -1), ((0, 0), (0, 128 - nclass)),
                    constant_values=-1e30)
    out = _tc_head(pooled, fcW1, fcb1.reshape(1, -1), g3.reshape(1, -1),
                   bt3.reshape(1, -1), fcW2, fcb2.reshape(1, -1),
                   fcW3p, fcb3p, g)
    return out[:, :nclass]

# --- scband reference (transcript-rebuilt; emitter-appended) ---
"""Pipeline reference for scband-py-gcg-net-26508538151144 (READ-ONLY COPY).

The authoritative reference and input builder live on the scoring server;
editing this copy changes nothing except your own understanding.
"""

import jax, jax.numpy as jnp
import numpy as np

N = 50000
E = 800000
G = 64


def gcn_conv(x, edge_index, W, b):
    src = edge_index[0]
    dst = edge_index[1]
    loop = jnp.arange(N, dtype=src.dtype)
    src = jnp.concatenate([src, loop])
    dst = jnp.concatenate([dst, loop])
    deg = jnp.zeros((N,), dtype=jnp.float32).at[dst].add(1.0)
    dinv = jnp.where(deg > 0, deg ** -0.5, 0.0)
    norm = dinv[src] * dinv[dst]
    h = x @ W
    msg = h[src] * norm[:, None]
    out = jax.ops.segment_sum(msg, dst, num_segments=N)
    return out + b


def batch_norm(x, gamma, beta, eps=1e-5):
    mean = jnp.mean(x, axis=0, keepdims=True)
    var = jnp.var(x, axis=0, keepdims=True)
    return (x - mean) / jnp.sqrt(var + eps) * gamma + beta


def setup_inputs(seed: int = 0) -> dict:
    key = jax.random.key(seed)
    ks = jax.random.split(key, 24)
    x = jax.random.normal(ks[0], (N, 4), dtype=jnp.float32)
    edge_index = jax.random.randint(ks[1], (2, E), 0, N)
    batch = jnp.sort(jax.random.randint(ks[2], (N,), 0, G))
    def lin(k, fi, fo):
        return jax.random.normal(k, (fi, fo), dtype=jnp.float32) * (1.0 / np.sqrt(fi))
    return {
        'x': x,
        'edge_index': edge_index,
        'batch': batch,
        'W1': lin(ks[3], 4, 128), 'b1': jnp.zeros((128,), jnp.float32),
        'g1': jnp.ones((128,), jnp.float32), 'bt1': jnp.zeros((128,), jnp.float32),
        'W2': lin(ks[4], 128, 64), 'b2': jnp.zeros((64,), jnp.float32),
        'g2': jnp.ones((64,), jnp.float32), 'bt2': jnp.zeros((64,), jnp.float32),
        'fcW1': lin(ks[5], 64, 64), 'fcb1': jnp.zeros((64,), jnp.float32),
        'g3': jnp.ones((64,), jnp.float32), 'bt3': jnp.zeros((64,), jnp.float32),
        'fcW2': lin(ks[6], 64, 64), 'fcb2': jnp.zeros((64,), jnp.float32),
        'fcW3': lin(ks[7], 64, 3), 'fcb3': jnp.zeros((3,), jnp.float32),
    }


def reference(x, edge_index, batch, W1, b1, g1, bt1, W2, b2, g2, bt2, fcW1, fcb1, g3, bt3, fcW2, fcb2, fcW3, fcb3):
    h = jax.nn.relu(gcn_conv(x, edge_index, W1, b1))
    h = batch_norm(h, g1, bt1)
    h = jax.nn.relu(gcn_conv(h, edge_index, W2, b2))
    h = batch_norm(h, g2, bt2)
    p = jax.ops.segment_sum(h, batch, num_segments=G)
    p = jax.nn.relu(p @ fcW1 + fcb1)
    p = batch_norm(p, g3, bt3)
    p = jax.nn.relu(p @ fcW2 + fcb2)
    p = p @ fcW3 + fcb3
    return jax.nn.log_softmax(p, axis=1)

if __name__ == "__main__":
    import jax
    _d = setup_inputs()
    print(jax.jit(kernel)(*tuple(_d.values())))

</pallas_src>

<mosaic_0001>
#map = affine_map<(d0, d1) -> (0)>
#map1 = affine_map<(d0, d1) -> (0, 0, 0)>
module attributes {stable_mosaic.version = 14 : i64} {
  func.func @deg_kernel(%arg0: i32, %arg1: i32, %arg2: memref<800000xi32, #tpu.memory_space<hbm>>, %arg3: memref<2x50048x16xf32, #tpu.memory_space<hbm>>, %arg4: memref<50048x16xf32, #tpu.memory_space<vmem_shared>>, %arg5: memref<128xi32, #tpu.memory_space<vmem>>, %arg6: memref<128x16xf32, #tpu.memory_space<vmem>>, %arg7: memref<391x16xf32, #tpu.memory_space<vmem>>) attributes {dimension_semantics = [#tpu.dimension_semantics<core_parallel>, #tpu.dimension_semantics<subcore_parallel>], iteration_bounds = array<i64: 2, 16>, scalar_prefetch = 0 : i64, scratch_operands = 4 : i64, tpu.core_type = #tpu.core_type<sc_vector_subcore>, window_params = [{transform_indices = #map}, {transform_indices = #map1}]} {
    %iota3A = tpu.iota {dimensions = array<i32: 0>} : vector<16xi32>
    %eq3A = arith.constant 0 : i32
    %eq3A_0 = vector.broadcast %eq3A : i32 to vector<16xi32>
    %eq3A_1 = arith.cmpi eq, %iota3A, %eq3A_0 : vector<16xi32>
    %jit3A = arith.constant 1.000000e+00 : f32
    %jit3A_2 = arith.constant 0.000000e+00 : f32
    %broadcast_in_dim3A = vector.broadcast %jit3A : f32 to vector<16xf32>
    %broadcast_in_dim3A_3 = vector.broadcast %jit3A_2 : f32 to vector<16xf32>
    %select_n3A = arith.select %eq3A_1, %broadcast_in_dim3A, %broadcast_in_dim3A_3 : vector<16xi1>, vector<16xf32>
    %scan3A = arith.constant 0 : i32
    %scan3A_4 = arith.constant 0 : i32
    %scan3A_5 = arith.constant 128 : i32
    %scan3A_6 = arith.addi %scan3A_4, %scan3A_5 : i32
    %scan3A_7 = arith.constant 1 : i32
    %scan3A_8 = scf.for %scan3A_39 = %scan3A_4 to %scan3A_6 step %scan3A_7 iter_args(%scan3A_40 = %scan3A) -> (i32)  : i32 {
      %swap3A = arith.index_cast %scan3A_39 : i32 to index
      %swap3A_41 = arith.constant 0 : index
      %swap3A_42 = tpu.vector_load %arg6[%swap3A, %swap3A_41] {strides = array<i32>} : memref<128x16xf32, #tpu.memory_space<vmem>>, vector<1x16xf32>,
      %swap3A_43 = vector.shape_cast %swap3A_42 : vector<1x16xf32> to vector<16xf32>
      %swap3A_44 = vector.shape_cast %select_n3A : vector<16xf32> to vector<1x16xf32>
      tpu.vector_store %arg6[%swap3A, %swap3A_41], %swap3A_44 {strides = array<i32>} : memref<128x16xf32, #tpu.memory_space<vmem>>, vector<1x16xf32>,
      %scan3A_45 = arith.constant 0 : i32
      scf.yield %scan3A_45 : i32
    }
    %scan3A_9 = arith.constant 128 : i32
    %broadcast_in_dim3A_10 = arith.constant 0.000000e+00 : f32
    %broadcast_in_dim3A_11 = vector.broadcast %broadcast_in_dim3A_10 : f32 to vector<16xf32>
    %scan3A_12 = arith.constant 0 : i32
    %scan3A_13 = arith.constant 0 : i32
    %scan3A_14 = arith.constant 391 : i32
    %scan3A_15 = arith.addi %scan3A_13, %scan3A_14 : i32
    %scan3A_16 = arith.constant 1 : i32
    %scan3A_17 = scf.for %scan3A_39 = %scan3A_13 to %scan3A_15 step %scan3A_16 iter_args(%scan3A_40 = %scan3A_12) -> (i32)  : i32 {
      %swap3A = arith.index_cast %scan3A_39 : i32 to index
      %swap3A_41 = arith.constant 0 : index
      %swap3A_42 = tpu.vector_load %arg7[%swap3A, %swap3A_41] {strides = array<i32>} : memref<391x16xf32, #tpu.memory_space<vmem>>, vector<1x16xf32>,
      %swap3A_43 = vector.shape_cast %swap3A_42 : vector<1x16xf32> to vector<16xf32>
      %swap3A_44 = vector.shape_cast %broadcast_in_dim3A_11 : vector<16xf32> to vector<1x16xf32>
      tpu.vector_store %arg7[%swap3A, %swap3A_41], %swap3A_44 {strides = array<i32>} : memref<391x16xf32, #tpu.memory_space<vmem>>, vector<1x16xf32>,
      %scan3A_45 = arith.constant 0 : i32
      scf.yield %scan3A_45 : i32
    }
    %scan3A_18 = arith.constant 391 : i32
    %mul3A = arith.constant 3128 : i32
    %mul3A_19 = arith.muli %arg1, %mul3A : i32
    %scan3A_20 = arith.constant 0 : i32
    %scan3A_21 = arith.constant 0 : i32
    %scan3A_22 = arith.constant 8 : i32
    %scan3A_23 = arith.addi %scan3A_21, %scan3A_22 : i32
    %scan3A_24 = arith.constant 1 : i32
    %scan3A_25 = scf.for %scan3A_39 = %scan3A_21 to %scan3A_23 step %scan3A_24 iter_args(%scan3A_40 = %scan3A_20) -> (i32)  : i32 {
      %mul3A_41 = arith.constant 391 : i32
      %mul3A_42 = arith.muli %scan3A_39, %mul3A_41 : i32
      %add3A = arith.addi %mul3A_19, %mul3A_42 : i32
      "tpu.region"() ({
        %run_scoped3A = tpu.sem_alloc : memref<!tpu.dma_semaphore, #tpu.memory_space<semaphore_mem>>
        %dma_start3A = arith.constant 0 : i32
        %dma_start3A_44 = tpu.memref_slice %arg4[%add3A, %dma_start3A] : memref<50048x16xf32, #tpu.memory_space<vmem_shared>> -> memref<391x16xf32, #tpu.memory_space<vmem_shared>>
        %dma_start3A_45 = arith.constant 0 : i32
        %dma_start3A_46 = tpu.memref_slice %arg4[%add3A, %dma_start3A_45] : memref<50048x16xf32, #tpu.memory_space<vmem_shared>> -> memref<391x16xf32, #tpu.memory_space<vmem_shared>>
        tpu.enqueue_dma source(%arg7 : memref<391x16xf32, #tpu.memory_space<vmem>>) target(%dma_start3A_46 : memref<391x16xf32, #tpu.memory_space<vmem_shared>>) target_semaphore(%run_scoped3A : memref<!tpu.dma_semaphore, #tpu.memory_space<semaphore_mem>>)
        %dma_wait3A = arith.constant 0 : i32
        %dma_wait3A_47 = tpu.memref_slice %arg4[%add3A, %dma_wait3A] : memref<50048x16xf32, #tpu.memory_space<vmem_shared>> -> memref<391x16xf32, #tpu.memory_space<vmem_shared>>
        %dma_wait3A_48 = arith.constant 0 : i32
        %dma_wait3A_49 = tpu.memref_slice %arg4[%add3A, %dma_wait3A_48] : memref<50048x16xf32, #tpu.memory_space<vmem_shared>> -> memref<391x16xf32, #tpu.memory_space<vmem_shared>>
        tpu.wait_dma2 semaphore(%run_scoped3A : memref<!tpu.dma_semaphore, #tpu.memory_space<semaphore_mem>>) src(%arg7 : memref<391x16xf32, #tpu.memory_space<vmem>>) dst(%dma_wait3A_49 : memref<391x16xf32, #tpu.memory_space<vmem_shared>>)
        tpu.yield
      }) : () -> ()
      %scan3A_43 = arith.constant 0 : i32
      scf.yield %scan3A_43 : i32
    }
    %scan3A_26 = arith.constant 8 : i32
    %barrier3A = arith.constant 0 : index
    tpu.barrier barrier_id(%barrier3A)
    %mul3A_27 = arith.constant 3125 : i32
    %mul3A_28 = arith.muli %arg0, %mul3A_27 : i32
    %scan3A_29 = arith.constant 0 : i32
    %scan3A_30 = arith.constant 0 : i32
    %scan3A_31 = arith.constant 196 : i32
    %scan3A_32 = arith.addi %scan3A_30, %scan3A_31 : i32
    %scan3A_33 = arith.constant 1 : i32
    %scan3A_34 = scf.for %scan3A_39 = %scan3A_30 to %scan3A_32 step %scan3A_33 iter_args(%scan3A_40 = %scan3A_29) -> (i32)  : i32 {
      %mul3A_41 = arith.constant 16 : i32
      %mul3A_42 = arith.muli %scan3A_39, %mul3A_41 : i32
      %add3A = arith.addi %arg1, %mul3A_42 : i32
      %lt3A = arith.constant 3125 : i32
      %lt3A_43 = arith.cmpi slt, %add3A, %lt3A : i32
      %convert_element_type3A = arith.extui %lt3A_43 : i1 to i32
      %cond3A = arith.constant 0 : i32
      %cond3A_44 = arith.cmpi ne, %convert_element_type3A, %cond3A : i32
      scf.if %cond3A_44 {
        %add3A_46 = arith.addi %mul3A_28, %add3A : i32
        %mul3A_47 = arith.constant 128 : i32
        %mul3A_48 = arith.muli %add3A_46, %mul3A_47 : i32
        "tpu.region"() ({
          %run_scoped3A = tpu.sem_alloc : memref<!tpu.dma_semaphore, #tpu.memory_space<semaphore_mem>>
          %dma_start3A = tpu.memref_slice %arg2[%mul3A_48] : memref<800000xi32, #tpu.memory_space<hbm>> -> memref<128xi32, #tpu.memory_space<hbm>>
          %dma_start3A_49 = tpu.memref_slice %arg2[%mul3A_48] : memref<800000xi32, #tpu.memory_space<hbm>> -> memref<128xi32, #tpu.memory_space<hbm>>
          tpu.enqueue_dma source(%dma_start3A_49 : memref<128xi32, #tpu.memory_space<hbm>>) target(%arg5 : memref<128xi32, #tpu.memory_space<vmem>>) target_semaphore(%run_scoped3A : memref<!tpu.dma_semaphore, #tpu.memory_space<semaphore_mem>>)
          %dma_wait3A = tpu.memref_slice %arg2[%mul3A_48] : memref<800000xi32, #tpu.memory_space<hbm>> -> memref<128xi32, #tpu.memory_space<hbm>>
          %dma_wait3A_50 = tpu.memref_slice %arg2[%mul3A_48] : memref<800000xi32, #tpu.memory_space<hbm>> -> memref<128xi32, #tpu.memory_space<hbm>>
          tpu.wait_dma2 semaphore(%run_scoped3A : memref<!tpu.dma_semaphore, #tpu.memory_space<semaphore_mem>>) src(%dma_wait3A_50 : memref<128xi32, #tpu.memory_space<hbm>>) dst(%arg5 : memref<128xi32, #tpu.memory_space<vmem>>)
          tpu.yield
        }) : () -> ()
        "tpu.region"() ({
          %run_scoped3A = tpu.sem_alloc : memref<!tpu.dma_semaphore, #tpu.memory_space<semaphore_mem>>
          %dma_start3A = arith.constant 0 : i32
          %dma_start3A_49 = arith.constant 0 : i32
          %dma_start3A_50 = tpu.memref_slice %arg4[%dma_start3A, %dma_start3A_49] : memref<50048x16xf32, #tpu.memory_space<vmem_shared>> -> memref<50048x16xf32, #tpu.memory_space<vmem_shared>>
          tpu.enqueue_indirect_dma source(%arg6 : memref<128x16xf32, #tpu.memory_space<vmem>>) target(%dma_start3A_50 : memref<50048x16xf32, #tpu.memory_space<vmem_shared>>) offsets(%arg5 : memref<128xi32, #tpu.memory_space<vmem>>) semaphore(%run_scoped3A : memref<!tpu.dma_semaphore, #tpu.memory_space<semaphore_mem>>) {add = true}
          %dma_wait3A = arith.constant 0 : i32
          %dma_wait3A_51 = arith.constant 0 : i32
          %dma_wait3A_52 = tpu.memref_slice %arg4[%dma_wait3A, %dma_wait3A_51] : memref<50048x16xf32, #tpu.memory_space<vmem_shared>> -> memref<50048x16xf32, #tpu.memory_space<vmem_shared>>
          tpu.wait_indirect_dma semaphore(%run_scoped3A : memref<!tpu.dma_semaphore, #tpu.memory_space<semaphore_mem>>) src(%arg6 : memref<128x16xf32, #tpu.memory_space<vmem>>) dst(%dma_wait3A_52 : memref<50048x16xf32, #tpu.memory_space<vmem_shared>>)
          tpu.yield
        }) : () -> ()
      } else {
      }
      %scan3A_45 = arith.constant 0 : i32
      scf.yield %scan3A_45 : i32
    }
    %scan3A_35 = arith.constant 196 : i32
    %barrier3A_36 = arith.constant 0 : index
    tpu.barrier barrier_id(%barrier3A_36)
    %mul3A_37 = arith.constant 3128 : i32
    %mul3A_38 = arith.muli %arg1, %mul3A_37 : i32
    "tpu.region"() ({
      %run_scoped3A = tpu.sem_alloc : memref<!tpu.dma_semaphore, #tpu.memory_space<semaphore_mem>>
      %dma_start3A = arith.constant 0 : i32
      %dma_start3A_39 = tpu.memref_slice %arg3[%arg0, %mul3A_38, %dma_start3A] : memref<2x50048x16xf32, #tpu.memory_space<hbm>> -> memref<1x3128x16xf32, #tpu.memory_space<hbm>>
      %dma_start3A_40 = tpu.memref_squeeze %dma_start3A_39 : memref<1x3128x16xf32, #tpu.memory_space<hbm>> -> memref<3128x16xf32, #tpu.memory_space<hbm>>
      %dma_start3A_41 = arith.constant 0 : i32
      %dma_start3A_42 = tpu.memref_slice %arg4[%mul3A_38, %dma_start3A_41] : memref<50048x16xf32, #tpu.memory_space<vmem_shared>> -> memref<3128x16xf32, #tpu.memory_space<vmem_shared>>
      tpu.enqueue_dma source(%dma_start3A_42 : memref<3128x16xf32, #tpu.memory_space<vmem_shared>>) target(%dma_start3A_40 : memref<3128x16xf32, #tpu.memory_space<hbm>>) target_semaphore(%run_scoped3A : memref<!tpu.dma_semaphore, #tpu.memory_space<semaphore_mem>>)
      %dma_wait3A = arith.constant 0 : i32
      %dma_wait3A_43 = tpu.memref_slice %arg3[%arg0, %mul3A_38, %dma_wait3A] : memref<2x50048x16xf32, #tpu.memory_space<hbm>> -> memref<1x3128x16xf32, #tpu.memory_space<hbm>>
      %dma_wait3A_44 = tpu.memref_squeeze %dma_wait3A_43 : memref<1x3128x16xf32, #tpu.memory_space<hbm>> -> memref<3128x16xf32, #tpu.memory_space<hbm>>
      %dma_wait3A_45 = arith.constant 0 : i32
      %dma_wait3A_46 = tpu.memref_slice %arg4[%mul3A_38, %dma_wait3A_45] : memref<50048x16xf32, #tpu.memory_space<vmem_shared>> -> memref<3128x16xf32, #tpu.memory_space<vmem_shared>>
      tpu.wait_dma2 semaphore(%run_scoped3A : memref<!tpu.dma_semaphore, #tpu.memory_space<semaphore_mem>>) src(%dma_wait3A_46 : memref<3128x16xf32, #tpu.memory_space<vmem_shared>>) dst(%dma_wait3A_44 : memref<3128x16xf32, #tpu.memory_space<hbm>>)
      tpu.yield
    }) : () -> ()
    return
  }
}

#map = affine_map<(d0, d1) -> (0)>
#map1 = affine_map<(d0, d1) -> (0, 0)>
#map2 = affine_map<(d0, d1) -> (0, 0, 0)>
module attributes {stable_mosaic.version = 14 : i64} {
  func.func @agg_kernel(%arg0: i32, %arg1: i32, %arg2: memref<800000xi32, #tpu.memory_space<hbm>>, %arg3: memref<800000xi32, #tpu.memory_space<hbm>>, %arg4: memref<50000x16xf32, #tpu.memory_space<hbm>>, %arg5: memref<2x50048x16xf32, #tpu.memory_space<hbm>>, %arg6: memref<50048x16xf32, #tpu.memory_space<vmem_shared>>, %arg7: memref<128xi32, #tpu.memory_space<vmem>>, %arg8: memref<128xi32, #tpu.memory_space<vmem>>, %arg9: memref<128x16xf32, #tpu.memory_space<vmem>>, %arg10: memref<391x16xf32, #tpu.memory_space<vmem>>, %arg11: memref<!tpu.dma_semaphore, #tpu.memory_space<semaphore_mem>>) attributes {dimension_semantics = [#tpu.dimension_semantics<core_parallel>, #tpu.dimension_semantics<subcore_parallel>], iteration_bounds = array<i64: 2, 16>, scalar_prefetch = 0 : i64, scratch_operands = 6 : i64, tpu.core_type = #tpu.core_type<sc_vector_subcore>, window_params = [{transform_indices = #map}, {transform_indices = #map}, {transform_indices = #map1}, {transform_indices = #map2}]} {
    %broadcast_in_dim3A = arith.constant 0.000000e+00 : f32
    %broadcast_in_dim3A_0 = vector.broadcast %broadcast_in_dim3A : f32 to vector<16xf32>
    %scan3A = arith.constant 0 : i32
    %scan3A_1 = arith.constant 0 : i32
    %scan3A_2 = arith.constant 391 : i32
    %scan3A_3 = arith.addi %scan3A_1, %scan3A_2 : i32
    %scan3A_4 = arith.constant 1 : i32
    %scan3A_5 = scf.for %scan3A_27 = %scan3A_1 to %scan3A_3 step %scan3A_4 iter_args(%scan3A_28 = %scan3A) -> (i32)  : i32 {
      %swap3A = arith.index_cast %scan3A_27 : i32 to index
      %swap3A_29 = arith.constant 0 : index
      %swap3A_30 = tpu.vector_load %arg10[%swap3A, %swap3A_29] {strides = array<i32>} : memref<391x16xf32, #tpu.memory_space<vmem>>, vector<1x16xf32>,
      %swap3A_31 = vector.shape_cast %swap3A_30 : vector<1x16xf32> to vector<16xf32>
      %swap3A_32 = vector.shape_cast %broadcast_in_dim3A_0 : vector<16xf32> to vector<1x16xf32>
      tpu.vector_store %arg10[%swap3A, %swap3A_29], %swap3A_32 {strides = array<i32>} : memref<391x16xf32, #tpu.memory_space<vmem>>, vector<1x16xf32>,
      %scan3A_33 = arith.constant 0 : i32
      scf.yield %scan3A_33 : i32
    }
    %scan3A_6 = arith.constant 391 : i32
    %mul3A = arith.constant 3128 : i32
    %mul3A_7 = arith.muli %arg1, %mul3A : i32
    %scan3A_8 = arith.constant 0 : i32
    %scan3A_9 = arith.constant 0 : i32
    %scan3A_10 = arith.constant 8 : i32
    %scan3A_11 = arith.addi %scan3A_9, %scan3A_10 : i32
    %scan3A_12 = arith.constant 1 : i32
    %scan3A_13 = scf.for %scan3A_27 = %scan3A_9 to %scan3A_11 step %scan3A_12 iter_args(%scan3A_28 = %scan3A_8) -> (i32)  : i32 {
      %mul3A_29 = arith.constant 391 : i32
      %mul3A_30 = arith.muli %scan3A_27, %mul3A_29 : i32
      %add3A = arith.addi %mul3A_7, %mul3A_30 : i32
      "tpu.region"() ({
        %run_scoped3A = tpu.sem_alloc : memref<!tpu.dma_semaphore, #tpu.memory_space<semaphore_mem>>
        %dma_start3A = arith.constant 0 : i32
        %dma_start3A_32 = tpu.memref_slice %arg6[%add3A, %dma_start3A] : memref<50048x16xf32, #tpu.memory_space<vmem_shared>> -> memref<391x16xf32, #tpu.memory_space<vmem_shared>>
        %dma_start3A_33 = arith.constant 0 : i32
        %dma_start3A_34 = tpu.memref_slice %arg6[%add3A, %dma_start3A_33] : memref<50048x16xf32, #tpu.memory_space<vmem_shared>> -> memref<391x16xf32, #tpu.memory_space<vmem_shared>>
        tpu.enqueue_dma source(%arg10 : memref<391x16xf32, #tpu.memory_space<vmem>>) target(%dma_start3A_34 : memref<391x16xf32, #tpu.memory_space<vmem_shared>>) target_semaphore(%run_scoped3A : memref<!tpu.dma_semaphore, #tpu.memory_space<semaphore_mem>>)
        %dma_wait3A = arith.constant 0 : i32
        %dma_wait3A_35 = tpu.memref_slice %arg6[%add3A, %dma_wait3A] : memref<50048x16xf32, #tpu.memory_space<vmem_shared>> -> memref<391x16xf32, #tpu.memory_space<vmem_shared>>
        %dma_wait3A_36 = arith.constant 0 : i32
        %dma_wait3A_37 = tpu.memref_slice %arg6[%add3A, %dma_wait3A_36] : memref<50048x16xf32, #tpu.memory_space<vmem_shared>> -> memref<391x16xf32, #tpu.memory_space<vmem_shared>>
        tpu.wait_dma2 semaphore(%run_scoped3A : memref<!tpu.dma_semaphore, #tpu.memory_space<semaphore_mem>>) src(%arg10 : memref<391x16xf32, #tpu.memory_space<vmem>>) dst(%dma_wait3A_37 : memref<391x16xf32, #tpu.memory_space<vmem_shared>>)
        tpu.yield
      }) : () -> ()
      %scan3A_31 = arith.constant 0 : i32
      scf.yield %scan3A_31 : i32
    }
    %scan3A_14 = arith.constant 8 : i32
    %barrier3A = arith.constant 0 : index
    tpu.barrier barrier_id(%barrier3A)
    %mul3A_15 = arith.constant 3125 : i32
    %mul3A_16 = arith.muli %arg0, %mul3A_15 : i32
    %scan3A_17 = arith.constant 0 : i32
    %scan3A_18 = arith.constant 0 : i32
    %scan3A_19 = arith.constant 196 : i32
    %scan3A_20 = arith.addi %scan3A_18, %scan3A_19 : i32
    %scan3A_21 = arith.constant 1 : i32
    %scan3A_22 = scf.for %scan3A_27 = %scan3A_18 to %scan3A_20 step %scan3A_21 iter_args(%scan3A_28 = %scan3A_17) -> (i32)  : i32 {
      %mul3A_29 = arith.constant 16 : i32
      %mul3A_30 = arith.muli %scan3A_27, %mul3A_29 : i32
      %add3A = arith.addi %arg1, %mul3A_30 : i32
      %lt3A = arith.constant 3125 : i32
      %lt3A_31 = arith.cmpi slt, %add3A, %lt3A : i32
      %convert_element_type3A = arith.extui %lt3A_31 : i1 to i32
      %cond3A = arith.constant 0 : i32
      %cond3A_32 = arith.cmpi ne, %convert_element_type3A, %cond3A : i32
      scf.if %cond3A_32 {
        %add3A_34 = arith.addi %mul3A_16, %add3A : i32
        %mul3A_35 = arith.constant 128 : i32
        %mul3A_36 = arith.muli %add3A_34, %mul3A_35 : i32
        "tpu.region"() ({
          %run_scoped3A = tpu.sem_alloc : memref<!tpu.dma_semaphore, #tpu.memory_space<semaphore_mem>>
          %dma_start3A_43 = tpu.memref_slice %arg2[%mul3A_36] : memref<800000xi32, #tpu.memory_space<hbm>> -> memref<128xi32, #tpu.memory_space<hbm>>
          %dma_start3A_44 = tpu.memref_slice %arg2[%mul3A_36] : memref<800000xi32, #tpu.memory_space<hbm>> -> memref<128xi32, #tpu.memory_space<hbm>>
          tpu.enqueue_dma source(%dma_start3A_44 : memref<128xi32, #tpu.memory_space<hbm>>) target(%arg7 : memref<128xi32, #tpu.memory_space<vmem>>) target_semaphore(%run_scoped3A : memref<!tpu.dma_semaphore, #tpu.memory_space<semaphore_mem>>)
          %dma_wait3A_45 = tpu.memref_slice %arg2[%mul3A_36] : memref<800000xi32, #tpu.memory_space<hbm>> -> memref<128xi32, #tpu.memory_space<hbm>>
          %dma_wait3A_46 = tpu.memref_slice %arg2[%mul3A_36] : memref<800000xi32, #tpu.memory_space<hbm>> -> memref<128xi32, #tpu.memory_space<hbm>>
          tpu.wait_dma2 semaphore(%run_scoped3A : memref<!tpu.dma_semaphore, #tpu.memory_space<semaphore_mem>>) src(%dma_wait3A_46 : memref<128xi32, #tpu.memory_space<hbm>>) dst(%arg7 : memref<128xi32, #tpu.memory_space<vmem>>)
          tpu.yield
        }) : () -> ()
        %mul3A_37 = arith.constant 128 : i32
        %mul3A_38 = arith.muli %add3A_34, %mul3A_37 : i32
        "tpu.region"() ({
          %run_scoped3A = tpu.sem_alloc : memref<!tpu.dma_semaphore, #tpu.memory_space<semaphore_mem>>
          %dma_start3A_43 = tpu.memref_slice %arg3[%mul3A_38] : memref<800000xi32, #tpu.memory_space<hbm>> -> memref<128xi32, #tpu.memory_space<hbm>>
          %dma_start3A_44 = tpu.memref_slice %arg3[%mul3A_38] : memref<800000xi32, #tpu.memory_space<hbm>> -> memref<128xi32, #tpu.memory_space<hbm>>
          tpu.enqueue_dma source(%dma_start3A_44 : memref<128xi32, #tpu.memory_space<hbm>>) target(%arg8 : memref<128xi32, #tpu.memory_space<vmem>>) target_semaphore(%run_scoped3A : memref<!tpu.dma_semaphore, #tpu.memory_space<semaphore_mem>>)
          %dma_wait3A_45 = tpu.memref_slice %arg3[%mul3A_38] : memref<800000xi32, #tpu.memory_space<hbm>> -> memref<128xi32, #tpu.memory_space<hbm>>
          %dma_wait3A_46 = tpu.memref_slice %arg3[%mul3A_38] : memref<800000xi32, #tpu.memory_space<hbm>> -> memref<128xi32, #tpu.memory_space<hbm>>
          tpu.wait_dma2 semaphore(%run_scoped3A : memref<!tpu.dma_semaphore, #tpu.memory_space<semaphore_mem>>) src(%dma_wait3A_46 : memref<128xi32, #tpu.memory_space<hbm>>) dst(%arg8 : memref<128xi32, #tpu.memory_space<vmem>>)
          tpu.yield
        }) : () -> ()
        %dma_start3A = arith.constant 0 : i32
        %dma_start3A_39 = arith.constant 0 : i32
        %dma_start3A_40 = tpu.memref_slice %arg4[%dma_start3A, %dma_start3A_39] : memref<50000x16xf32, #tpu.memory_space<hbm>> -> memref<50000x16xf32, #tpu.memory_space<hbm>>
        tpu.enqueue_indirect_dma source(%dma_start3A_40 : memref<50000x16xf32, #tpu.memory_space<hbm>>) target(%arg9 : memref<128x16xf32, #tpu.memory_space<vmem>>) offsets(%arg7 : memref<128xi32, #tpu.memory_space<vmem>>) semaphore(%arg11 : memref<!tpu.dma_semaphore, #tpu.memory_space<semaphore_mem>>)
        %dma_wait3A = arith.constant 0 : i32
        %dma_wait3A_41 = arith.constant 0 : i32
        %dma_wait3A_42 = tpu.memref_slice %arg4[%dma_wait3A, %dma_wait3A_41] : memref<50000x16xf32, #tpu.memory_space<hbm>> -> memref<50000x16xf32, #tpu.memory_space<hbm>>
        tpu.wait_indirect_dma semaphore(%arg11 : memref<!tpu.dma_semaphore, #tpu.memory_space<semaphore_mem>>) src(%dma_wait3A_42 : memref<50000x16xf32, #tpu.memory_space<hbm>>) dst(%arg9 : memref<128x16xf32, #tpu.memory_space<vmem>>)
        "tpu.region"() ({
          %run_scoped3A = tpu.sem_alloc : memref<!tpu.dma_semaphore, #tpu.memory_space<semaphore_mem>>
          %dma_start3A_43 = arith.constant 0 : i32
          %dma_start3A_44 = arith.constant 0 : i32
          %dma_start3A_45 = tpu.memref_slice %arg6[%dma_start3A_43, %dma_start3A_44] : memref<50048x16xf32, #tpu.memory_space<vmem_shared>> -> memref<50048x16xf32, #tpu.memory_space<vmem_shared>>
          tpu.enqueue_indirect_dma source(%arg9 : memref<128x16xf32, #tpu.memory_space<vmem>>) target(%dma_start3A_45 : memref<50048x16xf32, #tpu.memory_space<vmem_shared>>) offsets(%arg8 : memref<128xi32, #tpu.memory_space<vmem>>) semaphore(%run_scoped3A : memref<!tpu.dma_semaphore, #tpu.memory_space<semaphore_mem>>) {add = true}
          %dma_wait3A_46 = arith.constant 0 : i32
          %dma_wait3A_47 = arith.constant 0 : i32
          %dma_wait3A_48 = tpu.memref_slice %arg6[%dma_wait3A_46, %dma_wait3A_47] : memref<50048x16xf32, #tpu.memory_space<vmem_shared>> -> memref<50048x16xf32, #tpu.memory_space<vmem_shared>>
          tpu.wait_indirect_dma semaphore(%run_scoped3A : memref<!tpu.dma_semaphore, #tpu.memory_space<semaphore_mem>>) src(%arg9 : memref<128x16xf32, #tpu.memory_space<vmem>>) dst(%dma_wait3A_48 : memref<50048x16xf32, #tpu.memory_space<vmem_shared>>)
          tpu.yield
        }) : () -> ()
      } else {
      }
      %scan3A_33 = arith.constant 0 : i32
      scf.yield %scan3A_33 : i32
    }
    %scan3A_23 = arith.constant 196 : i32
    %barrier3A_24 = arith.constant 0 : index
    tpu.barrier barrier_id(%barrier3A_24)
    %mul3A_25 = arith.constant 3128 : i32
    %mul3A_26 = arith.muli %arg1, %mul3A_25 : i32
    "tpu.region"() ({
      %run_scoped3A = tpu.sem_alloc : memref<!tpu.dma_semaphore, #tpu.memory_space<semaphore_mem>>
      %dma_start3A = arith.constant 0 : i32
      %dma_start3A_27 = tpu.memref_slice %arg5[%arg0, %mul3A_26, %dma_start3A] : memref<2x50048x16xf32, #tpu.memory_space<hbm>> -> memref<1x3128x16xf32, #tpu.memory_space<hbm>>
      %dma_start3A_28 = tpu.memref_squeeze %dma_start3A_27 : memref<1x3128x16xf32, #tpu.memory_space<hbm>> -> memref<3128x16xf32, #tpu.memory_space<hbm>>
      %dma_start3A_29 = arith.constant 0 : i32
      %dma_start3A_30 = tpu.memref_slice %arg6[%mul3A_26, %dma_start3A_29] : memref<50048x16xf32, #tpu.memory_space<vmem_shared>> -> memref<3128x16xf32, #tpu.memory_space<vmem_shared>>
      tpu.enqueue_dma source(%dma_start3A_30 : memref<3128x16xf32, #tpu.memory_space<vmem_shared>>) target(%dma_start3A_28 : memref<3128x16xf32, #tpu.memory_space<hbm>>) target_semaphore(%run_scoped3A : memref<!tpu.dma_semaphore, #tpu.memory_space<semaphore_mem>>)
      %dma_wait3A = arith.constant 0 : i32
      %dma_wait3A_31 = tpu.memref_slice %arg5[%arg0, %mul3A_26, %dma_wait3A] : memref<2x50048x16xf32, #tpu.memory_space<hbm>> -> memref<1x3128x16xf32, #tpu.memory_space<hbm>>
      %dma_wait3A_32 = tpu.memref_squeeze %dma_wait3A_31 : memref<1x3128x16xf32, #tpu.memory_space<hbm>> -> memref<3128x16xf32, #tpu.memory_space<hbm>>
      %dma_wait3A_33 = arith.constant 0 : i32
      %dma_wait3A_34 = tpu.memref_slice %arg6[%mul3A_26, %dma_wait3A_33] : memref<50048x16xf32, #tpu.memory_space<vmem_shared>> -> memref<3128x16xf32, #tpu.memory_space<vmem_shared>>
      tpu.wait_dma2 semaphore(%run_scoped3A : memref<!tpu.dma_semaphore, #tpu.memory_space<semaphore_mem>>) src(%dma_wait3A_34 : memref<3128x16xf32, #tpu.memory_space<vmem_shared>>) dst(%dma_wait3A_32 : memref<3128x16xf32, #tpu.memory_space<hbm>>)
      tpu.yield
    }) : () -> ()
    return
  }
}

#map = affine_map<(d0, d1) -> (0)>
#map1 = affine_map<(d0, d1) -> (0, 0)>
#map2 = affine_map<(d0, d1) -> (0, 0, 0)>
module attributes {stable_mosaic.version = 14 : i64} {
  func.func @agg_kernel(%arg0: i32, %arg1: i32, %arg2: memref<800000xi32, #tpu.memory_space<hbm>>, %arg3: memref<800000xi32, #tpu.memory_space<hbm>>, %arg4: memref<100000x32xf32, #tpu.memory_space<hbm>>, %arg5: memref<2x50048x32xf32, #tpu.memory_space<hbm>>, %arg6: memref<50048x32xf32, #tpu.memory_space<vmem_shared>>, %arg7: memref<128xi32, #tpu.memory_space<vmem>>, %arg8: memref<128xi32, #tpu.memory_space<vmem>>, %arg9: memref<128x32xf32, #tpu.memory_space<vmem>>, %arg10: memref<391x32xf32, #tpu.memory_space<vmem>>, %arg11: memref<!tpu.dma_semaphore, #tpu.memory_space<semaphore_mem>>) attributes {dimension_semantics = [#tpu.dimension_semantics<core_parallel>, #tpu.dimension_semantics<subcore_parallel>], iteration_bounds = array<i64: 2, 16>, scalar_prefetch = 0 : i64, scratch_operands = 6 : i64, tpu.core_type = #tpu.core_type<sc_vector_subcore>, window_params = [{transform_indices = #map}, {transform_indices = #map}, {transform_indices = #map1}, {transform_indices = #map2}]} {
    %broadcast_in_dim3A = arith.constant 0.000000e+00 : f32
    %broadcast_in_dim3A_0 = vector.broadcast %broadcast_in_dim3A : f32 to vector<16xf32>
    %scan3A = arith.constant 0 : i32
    %scan3A_1 = arith.constant 0 : i32
    %scan3A_2 = arith.constant 391 : i32
    %scan3A_3 = arith.addi %scan3A_1, %scan3A_2 : i32
    %scan3A_4 = arith.constant 1 : i32
    %scan3A_5 = scf.for %scan3A_25 = %scan3A_1 to %scan3A_3 step %scan3A_4 iter_args(%scan3A_26 = %scan3A) -> (i32)  : i32 {
      %swap3A = arith.index_cast %scan3A_25 : i32 to index
      %swap3A_27 = arith.constant 0 : index
      %swap3A_28 = tpu.vector_load %arg10[%swap3A, %swap3A_27] {strides = array<i32>} : memref<391x32xf32, #tpu.memory_space<vmem>>, vector<1x16xf32>,
      %swap3A_29 = vector.shape_cast %swap3A_28 : vector<1x16xf32> to vector<16xf32>
      %swap3A_30 = vector.shape_cast %broadcast_in_dim3A_0 : vector<16xf32> to vector<1x16xf32>
      tpu.vector_store %arg10[%swap3A, %swap3A_27], %swap3A_30 {strides = array<i32>} : memref<391x32xf32, #tpu.memory_space<vmem>>, vector<1x16xf32>,
      %swap3A_31 = arith.index_cast %scan3A_25 : i32 to index
      %swap3A_32 = arith.constant 16 : index
      %swap3A_33 = tpu.vector_load %arg10[%swap3A_31, %swap3A_32] {strides = array<i32>} : memref<391x32xf32, #tpu.memory_space<vmem>>, vector<1x16xf32>,
      %swap3A_34 = vector.shape_cast %swap3A_33 : vector<1x16xf32> to vector<16xf32>
      %swap3A_35 = vector.shape_cast %broadcast_in_dim3A_0 : vector<16xf32> to vector<1x16xf32>
      tpu.vector_store %arg10[%swap3A_31, %swap3A_32], %swap3A_35 {strides = array<i32>} : memref<391x32xf32, #tpu.memory_space<vmem>>, vector<1x16xf32>,
      %scan3A_36 = arith.constant 0 : i32
      scf.yield %scan3A_36 : i32
    }
    %scan3A_6 = arith.constant 391 : i32
    %mul3A = arith.constant 3128 : i32
    %mul3A_7 = arith.muli %arg1, %mul3A : i32
    %scan3A_8 = arith.constant 0 : i32
    %scan3A_9 = arith.constant 0 : i32
    %scan3A_10 = arith.constant 8 : i32
    %scan3A_11 = arith.addi %scan3A_9, %scan3A_10 : i32
    %scan3A_12 = arith.constant 1 : i32
    %scan3A_13 = scf.for %scan3A_25 = %scan3A_9 to %scan3A_11 step %scan3A_12 iter_args(%scan3A_26 = %scan3A_8) -> (i32)  : i32 {
      %mul3A_27 = arith.constant 391 : i32
      %mul3A_28 = arith.muli %scan3A_25, %mul3A_27 : i32
      %add3A = arith.addi %mul3A_7, %mul3A_28 : i32
      "tpu.region"() ({
        %run_scoped3A = tpu.sem_alloc : memref<!tpu.dma_semaphore, #tpu.memory_space<semaphore_mem>>
        %dma_start3A = arith.constant 0 : i32
        %dma_start3A_30 = tpu.memref_slice %arg6[%add3A, %dma_start3A] : memref<50048x32xf32, #tpu.memory_space<vmem_shared>> -> memref<391x32xf32, #tpu.memory_space<vmem_shared>>
        %dma_start3A_31 = arith.constant 0 : i32
        %dma_start3A_32 = tpu.memref_slice %arg6[%add3A, %dma_start3A_31] : memref<50048x32xf32, #tpu.memory_space<vmem_shared>> -> memref<391x32xf32, #tpu.memory_space<vmem_shared>>
        tpu.enqueue_dma source(%arg10 : memref<391x32xf32, #tpu.memory_space<vmem>>) target(%dma_start3A_32 : memref<391x32xf32, #tpu.memory_space<vmem_shared>>) target_semaphore(%run_scoped3A : memref<!tpu.dma_semaphore, #tpu.memory_space<semaphore_mem>>)
        %dma_wait3A = arith.constant 0 : i32
        %dma_wait3A_33 = tpu.memref_slice %arg6[%add3A, %dma_wait3A] : memref<50048x32xf32, #tpu.memory_space<vmem_shared>> -> memref<391x32xf32, #tpu.memory_space<vmem_shared>>
        %dma_wait3A_34 = arith.constant 0 : i32
        %dma_wait3A_35 = tpu.memref_slice %arg6[%add3A, %dma_wait3A_34] : memref<50048x32xf32, #tpu.memory_space<vmem_shared>> -> memref<391x32xf32, #tpu.memory_space<vmem_shared>>
        tpu.wait_dma2 semaphore(%run_scoped3A : memref<!tpu.dma_semaphore, #tpu.memory_space<semaphore_mem>>) src(%arg10 : memref<391x32xf32, #tpu.memory_space<vmem>>) dst(%dma_wait3A_35 : memref<391x32xf32, #tpu.memory_space<vmem_shared>>)
        tpu.yield
      }) : () -> ()
      %scan3A_29 = arith.constant 0 : i32
      scf.yield %scan3A_29 : i32
    }
    %scan3A_14 = arith.constant 8 : i32
    %barrier3A = arith.constant 0 : index
    tpu.barrier barrier_id(%barrier3A)
    %scan3A_15 = arith.constant 0 : i32
    %scan3A_16 = arith.constant 0 : i32
    %scan3A_17 = arith.constant 391 : i32
    %scan3A_18 = arith.addi %scan3A_16, %scan3A_17 : i32
    %scan3A_19 = arith.constant 1 : i32
    %scan3A_20 = scf.for %scan3A_25 = %scan3A_16 to %scan3A_18 step %scan3A_19 iter_args(%scan3A_26 = %scan3A_15) -> (i32)  : i32 {
      %mul3A_27 = arith.constant 16 : i32
      %mul3A_28 = arith.muli %scan3A_25, %mul3A_27 : i32
      %add3A = arith.addi %arg1, %mul3A_28 : i32
      %lt3A = arith.constant 6250 : i32
      %lt3A_29 = arith.cmpi slt, %add3A, %lt3A : i32
      %convert_element_type3A = arith.extui %lt3A_29 : i1 to i32
      %cond3A = arith.constant 0 : i32
      %cond3A_30 = arith.cmpi ne, %convert_element_type3A, %cond3A : i32
      scf.if %cond3A_30 {
        %add3A_32 = arith.constant 0 : i32
        %add3A_33 = arith.addi %add3A_32, %add3A : i32
        %mul3A_34 = arith.constant 128 : i32
        %mul3A_35 = arith.muli %add3A_33, %mul3A_34 : i32
        "tpu.region"() ({
          %run_scoped3A = tpu.sem_alloc : memref<!tpu.dma_semaphore, #tpu.memory_space<semaphore_mem>>
          %dma_start3A_128 = tpu.memref_slice %arg2[%mul3A_35] : memref<800000xi32, #tpu.memory_space<hbm>> -> memref<128xi32, #tpu.memory_space<hbm>>
          %dma_start3A_129 = tpu.memref_slice %arg2[%mul3A_35] : memref<800000xi32, #tpu.memory_space<hbm>> -> memref<128xi32, #tpu.memory_space<hbm>>
          tpu.enqueue_dma source(%dma_start3A_129 : memref<128xi32, #tpu.memory_space<hbm>>) target(%arg7 : memref<128xi32, #tpu.memory_space<vmem>>) target_semaphore(%run_scoped3A : memref<!tpu.dma_semaphore, #tpu.memory_space<semaphore_mem>>)
          %dma_wait3A_130 = tpu.memref_slice %arg2[%mul3A_35] : memref<800000xi32, #tpu.memory_space<hbm>> -> memref<128xi32, #tpu.memory_space<hbm>>
          %dma_wait3A_131 = tpu.memref_slice %arg2[%mul3A_35] : memref<800000xi32, #tpu.memory_space<hbm>> -> memref<128xi32, #tpu.memory_space<hbm>>
          tpu.wait_dma2 semaphore(%run_scoped3A : memref<!tpu.dma_semaphore, #tpu.memory_space<semaphore_mem>>) src(%dma_wait3A_131 : memref<128xi32, #tpu.memory_space<hbm>>) dst(%arg7 : memref<128xi32, #tpu.memory_space<vmem>>)
          tpu.yield
        }) : () -> ()
        %mul3A_36 = arith.constant 128 : i32
        %mul3A_37 = arith.muli %add3A_33, %mul3A_36 : i32
        "tpu.region"() ({
          %run_scoped3A = tpu.sem_alloc : memref<!tpu.dma_semaphore, #tpu.memory_space<semaphore_mem>>
          %dma_start3A_128 = tpu.memref_slice %arg3[%mul3A_37] : memref<800000xi32, #tpu.memory_space<hbm>> -> memref<128xi32, #tpu.memory_space<hbm>>
          %dma_start3A_129 = tpu.memref_slice %arg3[%mul3A_37] : memref<800000xi32, #tpu.memory_space<hbm>> -> memref<128xi32, #tpu.memory_space<hbm>>
          tpu.enqueue_dma source(%dma_start3A_129 : memref<128xi32, #tpu.memory_space<hbm>>) target(%arg8 : memref<128xi32, #tpu.memory_space<vmem>>) target_semaphore(%run_scoped3A : memref<!tpu.dma_semaphore, #tpu.memory_space<semaphore_mem>>)
          %dma_wait3A_130 = tpu.memref_slice %arg3[%mul3A_37] : memref<800000xi32, #tpu.memory_space<hbm>> -> memref<128xi32, #tpu.memory_space<hbm>>
          %dma_wait3A_131 = tpu.memref_slice %arg3[%mul3A_37] : memref<800000xi32, #tpu.memory_space<hbm>> -> memref<128xi32, #tpu.memory_space<hbm>>
          tpu.wait_dma2 semaphore(%run_scoped3A : memref<!tpu.dma_semaphore, #tpu.memory_space<semaphore_mem>>) src(%dma_wait3A_131 : memref<128xi32, #tpu.memory_space<hbm>>) dst(%arg8 : memref<128xi32, #tpu.memory_space<vmem>>)
          tpu.yield
        }) : () -> ()
        %get3A = arith.constant 0 : index
        %get3A_38 = tpu.vector_load %arg7[%get3A] {strides = array<i32>} : memref<128xi32, #tpu.memory_space<vmem>>, vector<16xi32>,
        %get3A_39 = vector.shape_cast %get3A_38 : vector<16xi32> to vector<16xi32>
        %mul3A_40 = arith.constant 50000 : i32
        %mul3A_41 = arith.muli %arg0, %mul3A_40 : i32
        %add3A_42 = vector.broadcast %mul3A_41 : i32 to vector<16xi32>
        %add3A_43 = arith.addi %get3A_39, %add3A_42 : vector<16xi32>
        %swap3A = arith.constant 0 : index
        %swap3A_44 = tpu.vector_load %arg7[%swap3A] {strides = array<i32>} : memref<128xi32, #tpu.memory_space<vmem>>, vector<16xi32>,
        %swap3A_45 = vector.shape_cast %swap3A_44 : vector<16xi32> to vector<16xi32>
        %swap3A_46 = vector.shape_cast %add3A_43 : vector<16xi32> to vector<16xi32>
        tpu.vector_store %arg7[%swap3A], %swap3A_46 {strides = array<i32>} : memref<128xi32, #tpu.memory_space<vmem>>, vector<16xi32>,
        %get3A_47 = arith.constant 16 : index
        %get3A_48 = tpu.vector_load %arg7[%get3A_47] {strides = array<i32>} : memref<128xi32, #tpu.memory_space<vmem>>, vector<16xi32>,
        %get3A_49 = vector.shape_cast %get3A_48 : vector<16xi32> to vector<16xi32>
        %mul3A_50 = arith.constant 50000 : i32
        %mul3A_51 = arith.muli %arg0, %mul3A_50 : i32
        %add3A_52 = vector.broadcast %mul3A_51 : i32 to vector<16xi32>
        %add3A_53 = arith.addi %get3A_49, %add3A_52 : vector<16xi32>
        %swap3A_54 = arith.constant 16 : index
        %swap3A_55 = tpu.vector_load %arg7[%swap3A_54] {strides = array<i32>} : memref<128xi32, #tpu.memory_space<vmem>>, vector<16xi32>,
        %swap3A_56 = vector.shape_cast %swap3A_55 : vector<16xi32> to vector<16xi32>
        %swap3A_57 = vector.shape_cast %add3A_53 : vector<16xi32> to vector<16xi32>
        tpu.vector_store %arg7[%swap3A_54], %swap3A_57 {strides = array<i32>} : memref<128xi32, #tpu.memory_space<vmem>>, vector<16xi32>,
        %get3A_58 = arith.constant 32 : index
        %get3A_59 = tpu.vector_load %arg7[%get3A_58] {strides = array<i32>} : memref<128xi32, #tpu.memory_space<vmem>>, vector<16xi32>,
        %get3A_60 = vector.shape_cast %get3A_59 : vector<16xi32> to vector<16xi32>
        %mul3A_61 = arith.constant 50000 : i32
        %mul3A_62 = arith.muli %arg0, %mul3A_61 : i32
        %add3A_63 = vector.broadcast %mul3A_62 : i32 to vector<16xi32>
        %add3A_64 = arith.addi %get3A_60, %add3A_63 : vector<16xi32>
        %swap3A_65 = arith.constant 32 : index
        %swap3A_66 = tpu.vector_load %arg7[%swap3A_65] {strides = array<i32>} : memref<128xi32, #tpu.memory_space<vmem>>, vector<16xi32>,
        %swap3A_67 = vector.shape_cast %swap3A_66 : vector<16xi32> to vector<16xi32>
        %swap3A_68 = vector.shape_cast %add3A_64 : vector<16xi32> to vector<16xi32>
        tpu.vector_store %arg7[%swap3A_65], %swap3A_68 {strides = array<i32>} : memref<128xi32, #tpu.memory_space<vmem>>, vector<16xi32>,
        %get3A_69 = arith.constant 48 : index
        %get3A_70 = tpu.vector_load %arg7[%get3A_69] {strides = array<i32>} : memref<128xi32, #tpu.memory_space<vmem>>, vector<16xi32>,
        %get3A_71 = vector.shape_cast %get3A_70 : vector<16xi32> to vector<16xi32>
        %mul3A_72 = arith.constant 50000 : i32
        %mul3A_73 = arith.muli %arg0, %mul3A_72 : i32
        %add3A_74 = vector.broadcast %mul3A_73 : i32 to vector<16xi32>
        %add3A_75 = arith.addi %get3A_71, %add3A_74 : vector<16xi32>
        %swap3A_76 = arith.constant 48 : index
        %swap3A_77 = tpu.vector_load %arg7[%swap3A_76] {strides = array<i32>} : memref<128xi32, #tpu.memory_space<vmem>>, vector<16xi32>,
        %swap3A_78 = vector.shape_cast %swap3A_77 : vector<16xi32> to vector<16xi32>
        %swap3A_79 = vector.shape_cast %add3A_75 : vector<16xi32> to vector<16xi32>
        tpu.vector_store %arg7[%swap3A_76], %swap3A_79 {strides = array<i32>} : memref<128xi32, #tpu.memory_space<vmem>>, vector<16xi32>,
        %get3A_80 = arith.constant 64 : index
        %get3A_81 = tpu.vector_load %arg7[%get3A_80] {strides = array<i32>} : memref<128xi32, #tpu.memory_space<vmem>>, vector<16xi32>,
        %get3A_82 = vector.shape_cast %get3A_81 : vector<16xi32> to vector<16xi32>
        %mul3A_83 = arith.constant 50000 : i32
        %mul3A_84 = arith.muli %arg0, %mul3A_83 : i32
        %add3A_85 = vector.broadcast %mul3A_84 : i32 to vector<16xi32>
        %add3A_86 = arith.addi %get3A_82, %add3A_85 : vector<16xi32>
        %swap3A_87 = arith.constant 64 : index
        %swap3A_88 = tpu.vector_load %arg7[%swap3A_87] {strides = array<i32>} : memref<128xi32, #tpu.memory_space<vmem>>, vector<16xi32>,
        %swap3A_89 = vector.shape_cast %swap3A_88 : vector<16xi32> to vector<16xi32>
        %swap3A_90 = vector.shape_cast %add3A_86 : vector<16xi32> to vector<16xi32>
        tpu.vector_store %arg7[%swap3A_87], %swap3A_90 {strides = array<i32>} : memref<128xi32, #tpu.memory_space<vmem>>, vector<16xi32>,
        %get3A_91 = arith.constant 80 : index
        %get3A_92 = tpu.vector_load %arg7[%get3A_91] {strides = array<i32>} : memref<128xi32, #tpu.memory_space<vmem>>, vector<16xi32>,
        %get3A_93 = vector.shape_cast %get3A_92 : vector<16xi32> to vector<16xi32>
        %mul3A_94 = arith.constant 50000 : i32
        %mul3A_95 = arith.muli %arg0, %mul3A_94 : i32
        %add3A_96 = vector.broadcast %mul3A_95 : i32 to vector<16xi32>
        %add3A_97 = arith.addi %get3A_93, %add3A_96 : vector<16xi32>
        %swap3A_98 = arith.constant 80 : index
        %swap3A_99 = tpu.vector_load %arg7[%swap3A_98] {strides = array<i32>} : memref<128xi32, #tpu.memory_space<vmem>>, vector<16xi32>,
        %swap3A_100 = vector.shape_cast %swap3A_99 : vector<16xi32> to vector<16xi32>
        %swap3A_101 = vector.shape_cast %add3A_97 : vector<16xi32> to vector<16xi32>
        tpu.vector_store %arg7[%swap3A_98], %swap3A_101 {strides = array<i32>} : memref<128xi32, #tpu.memory_space<vmem>>, vector<16xi32>,
        %get3A_102 = arith.constant 96 : index
        %get3A_103 = tpu.vector_load %arg7[%get3A_102] {strides = array<i32>} : memref<128xi32, #tpu.memory_space<vmem>>, vector<16xi32>,
        %get3A_104 = vector.shape_cast %get3A_103 : vector<16xi32> to vector<16xi32>
        %mul3A_105 = arith.constant 50000 : i32
        %mul3A_106 = arith.muli %arg0, %mul3A_105 : i32
        %add3A_107 = vector.broadcast %mul3A_106 : i32 to vector<16xi32>
        %add3A_108 = arith.addi %get3A_104, %add3A_107 : vector<16xi32>
        %swap3A_109 = arith.constant 96 : index
        %swap3A_110 = tpu.vector_load %arg7[%swap3A_109] {strides = array<i32>} : memref<128xi32, #tpu.memory_space<vmem>>, vector<16xi32>,
        %swap3A_111 = vector.shape_cast %swap3A_110 : vector<16xi32> to vector<16xi32>
        %swap3A_112 = vector.shape_cast %add3A_108 : vector<16xi32> to vector<16xi32>
        tpu.vector_store %arg7[%swap3A_109], %swap3A_112 {strides = array<i32>} : memref<128xi32, #tpu.memory_space<vmem>>, vector<16xi32>,
        %get3A_113 = arith.constant 112 : index
        %get3A_114 = tpu.vector_load %arg7[%get3A_113] {strides = array<i32>} : memref<128xi32, #tpu.memory_space<vmem>>, vector<16xi32>,
        %get3A_115 = vector.shape_cast %get3A_114 : vector<16xi32> to vector<16xi32>
        %mul3A_116 = arith.constant 50000 : i32
        %mul3A_117 = arith.muli %arg0, %mul3A_116 : i32
        %add3A_118 = vector.broadcast %mul3A_117 : i32 to vector<16xi32>
        %add3A_119 = arith.addi %get3A_115, %add3A_118 : vector<16xi32>
        %swap3A_120 = arith.constant 112 : index
        %swap3A_121 = tpu.vector_load %arg7[%swap3A_120] {strides = array<i32>} : memref<128xi32, #tpu.memory_space<vmem>>, vector<16xi32>,
        %swap3A_122 = vector.shape_cast %swap3A_121 : vector<16xi32> to vector<16xi32>
        %swap3A_123 = vector.shape_cast %add3A_119 : vector<16xi32> to vector<16xi32>
        tpu.vector_store %arg7[%swap3A_120], %swap3A_123 {strides = array<i32>} : memref<128xi32, #tpu.memory_space<vmem>>, vector<16xi32>,
        %dma_start3A = arith.constant 0 : i32
        %dma_start3A_124 = arith.constant 0 : i32
        %dma_start3A_125 = tpu.memref_slice %arg4[%dma_start3A, %dma_start3A_124] : memref<100000x32xf32, #tpu.memory_space<hbm>> -> memref<100000x32xf32, #tpu.memory_space<hbm>>
        tpu.enqueue_indirect_dma source(%dma_start3A_125 : memref<100000x32xf32, #tpu.memory_space<hbm>>) target(%arg9 : memref<128x32xf32, #tpu.memory_space<vmem>>) offsets(%arg7 : memref<128xi32, #tpu.memory_space<vmem>>) semaphore(%arg11 : memref<!tpu.dma_semaphore, #tpu.memory_space<semaphore_mem>>)
        %dma_wait3A = arith.constant 0 : i32
        %dma_wait3A_126 = arith.constant 0 : i32
        %dma_wait3A_127 = tpu.memref_slice %arg4[%dma_wait3A, %dma_wait3A_126] : memref<100000x32xf32, #tpu.memory_space<hbm>> -> memref<100000x32xf32, #tpu.memory_space<hbm>>
        tpu.wait_indirect_dma semaphore(%arg11 : memref<!tpu.dma_semaphore, #tpu.memory_space<semaphore_mem>>) src(%dma_wait3A_127 : memref<100000x32xf32, #tpu.memory_space<hbm>>) dst(%arg9 : memref<128x32xf32, #tpu.memory_space<vmem>>)
        "tpu.region"() ({
          %run_scoped3A = tpu.sem_alloc : memref<!tpu.dma_semaphore, #tpu.memory_space<semaphore_mem>>
          %dma_start3A_128 = arith.constant 0 : i32
          %dma_start3A_129 = arith.constant 0 : i32
          %dma_start3A_130 = tpu.memref_slice %arg6[%dma_start3A_128, %dma_start3A_129] : memref<50048x32xf32, #tpu.memory_space<vmem_shared>> -> memref<50048x32xf32, #tpu.memory_space<vmem_shared>>
          tpu.enqueue_indirect_dma source(%arg9 : memref<128x32xf32, #tpu.memory_space<vmem>>) target(%dma_start3A_130 : memref<50048x32xf32, #tpu.memory_space<vmem_shared>>) offsets(%arg8 : memref<128xi32, #tpu.memory_space<vmem>>) semaphore(%run_scoped3A : memref<!tpu.dma_semaphore, #tpu.memory_space<semaphore_mem>>) {add = true}
          %dma_wait3A_131 = arith.constant 0 : i32
          %dma_wait3A_132 = arith.constant 0 : i32
          %dma_wait3A_133 = tpu.memref_slice %arg6[%dma_wait3A_131, %dma_wait3A_132] : memref<50048x32xf32, #tpu.memory_space<vmem_shared>> -> memref<50048x32xf32, #tpu.memory_space<vmem_shared>>
          tpu.wait_indirect_dma semaphore(%run_scoped3A : memref<!tpu.dma_semaphore, #tpu.memory_space<semaphore_mem>>) src(%arg9 : memref<128x32xf32, #tpu.memory_space<vmem>>) dst(%dma_wait3A_133 : memref<50048x32xf32, #tpu.memory_space<vmem_shared>>)
          tpu.yield
        }) : () -> ()
      } else {
      }
      %scan3A_31 = arith.constant 0 : i32
      scf.yield %scan3A_31 : i32
    }
    %scan3A_21 = arith.constant 391 : i32
    %barrier3A_22 = arith.constant 0 : index
    tpu.barrier barrier_id(%barrier3A_22)
    %mul3A_23 = arith.constant 3128 : i32
    %mul3A_24 = arith.muli %arg1, %mul3A_23 : i32
    "tpu.region"() ({
      %run_scoped3A = tpu.sem_alloc : memref<!tpu.dma_semaphore, #tpu.memory_space<semaphore_mem>>
      %dma_start3A = arith.constant 0 : i32
      %dma_start3A_25 = tpu.memref_slice %arg5[%arg0, %mul3A_24, %dma_start3A] : memref<2x50048x32xf32, #tpu.memory_space<hbm>> -> memref<1x3128x32xf32, #tpu.memory_space<hbm>>
      %dma_start3A_26 = tpu.memref_squeeze %dma_start3A_25 : memref<1x3128x32xf32, #tpu.memory_space<hbm>> -> memref<3128x32xf32, #tpu.memory_space<hbm>>
      %dma_start3A_27 = arith.constant 0 : i32
      %dma_start3A_28 = tpu.memref_slice %arg6[%mul3A_24, %dma_start3A_27] : memref<50048x32xf32, #tpu.memory_space<vmem_shared>> -> memref<3128x32xf32, #tpu.memory_space<vmem_shared>>
      tpu.enqueue_dma source(%dma_start3A_28 : memref<3128x32xf32, #tpu.memory_space<vmem_shared>>) target(%dma_start3A_26 : memref<3128x32xf32, #tpu.memory_space<hbm>>) target_semaphore(%run_scoped3A : memref<!tpu.dma_semaphore, #tpu.memory_space<semaphore_mem>>)
      %dma_wait3A = arith.constant 0 : i32
      %dma_wait3A_29 = tpu.memref_slice %arg5[%arg0, %mul3A_24, %dma_wait3A] : memref<2x50048x32xf32, #tpu.memory_space<hbm>> -> memref<1x3128x32xf32, #tpu.memory_space<hbm>>
      %dma_wait3A_30 = tpu.memref_squeeze %dma_wait3A_29 : memref<1x3128x32xf32, #tpu.memory_space<hbm>> -> memref<3128x32xf32, #tpu.memory_space<hbm>>
      %dma_wait3A_31 = arith.constant 0 : i32
      %dma_wait3A_32 = tpu.memref_slice %arg6[%mul3A_24, %dma_wait3A_31] : memref<50048x32xf32, #tpu.memory_space<vmem_shared>> -> memref<3128x32xf32, #tpu.memory_space<vmem_shared>>
      tpu.wait_dma2 semaphore(%run_scoped3A : memref<!tpu.dma_semaphore, #tpu.memory_space<semaphore_mem>>) src(%dma_wait3A_32 : memref<3128x32xf32, #tpu.memory_space<vmem_shared>>) dst(%dma_wait3A_30 : memref<3128x32xf32, #tpu.memory_space<hbm>>)
      tpu.yield
    }) : () -> ()
    return
  }
}

module attributes {stable_mosaic.version = 14 : i64} {
  func.func @body(%arg0: i32, %arg1: memref<2x400x16xf32, #tpu.memory_space<vmem>>, %arg2: memref<400x16xf32, #tpu.memory_space<vmem>>, %arg3: memref<400x16xf32, #tpu.memory_space<vmem>>, %arg4: memref<400x16xf32, #tpu.memory_space<vmem>>) attributes {dimension_semantics = [#tpu.dimension_semantics<arbitrary>], iteration_bounds = array<i64: 125>, scalar_prefetch = 0 : i64, scratch_operands = 0 : i64, tpu.core_type = #tpu.core_type<tc>, window_params = [{transform_indices = @transform_0, window_bounds = array<i64: 2, 400, 16>}, {transform_indices = @transform_1, window_bounds = array<i64: 400, 16>}, {transform_indices = @transform_2, window_bounds = array<i64: 400, 16>}, {transform_indices = @transform_3, window_bounds = array<i64: 400, 16>}]} {
    %get3A = arith.constant 0 : index
    %get3A_0 = arith.constant 0 : index
    %get3A_1 = arith.constant 0 : index
    %get3A_2 = vector.load %arg1[%get3A, %get3A_0, %get3A_1] : memref<2x400x16xf32, #tpu.memory_space<vmem>>, vector<2x400x16xf32>
    %slice3A = vector.extract_strided_slice %get3A_2 {offsets = [0, 0, 0], sizes = [1, 400, 1], strides = [1, 1, 1]} : vector<2x400x16xf32> to vector<1x400x1xf32>
    %squeeze3A = vector.shape_cast %slice3A : vector<1x400x1xf32> to vector<400x1xf32>
    %slice3A_3 = vector.extract_strided_slice %get3A_2 {offsets = [1, 0, 0], sizes = [1, 400, 1], strides = [1, 1, 1]} : vector<2x400x16xf32> to vector<1x400x1xf32>
    %squeeze3A_4 = vector.shape_cast %slice3A_3 : vector<1x400x1xf32> to vector<400x1xf32>
    %add3A = arith.addf %squeeze3A, %squeeze3A_4 : vector<400x1xf32>
    %add3A_5 = arith.constant 1.000000e+00 : f32
    %add3A_6 = vector.broadcast %add3A_5 : f32 to vector<400x1xf32>
    %add3A_7 = arith.addf %add3A, %add3A_6 : vector<400x1xf32>
    %rsqrt3A = math.rsqrt %add3A_7 : vector<400x1xf32>
    %broadcast_in_dim3A = vector.shape_cast %rsqrt3A : vector<400x1xf32> to vector<400x1xf32>
    %broadcast_in_dim3A_8 = vector.broadcast %broadcast_in_dim3A : vector<400x1xf32> to vector<400x16xf32>
    %swap3A = arith.constant 0 : index
    %swap3A_9 = arith.constant 0 : index
    %swap3A_10 = vector.load %arg3[%swap3A, %swap3A_9] : memref<400x16xf32, #tpu.memory_space<vmem>>, vector<400x16xf32>
    tpu.vector_store %arg3[%swap3A, %swap3A_9], %broadcast_in_dim3A_8 {strides = array<i32>} : memref<400x16xf32, #tpu.memory_space<vmem>>, vector<400x16xf32>,
    %get3A_11 = arith.constant 0 : index
    %get3A_12 = arith.constant 0 : index
    %get3A_13 = vector.load %arg2[%get3A_11, %get3A_12] : memref<400x16xf32, #tpu.memory_space<vmem>>, vector<400x16xf32>
    %mul3A = arith.mulf %broadcast_in_dim3A_8, %get3A_13 : vector<400x16xf32>
    %swap3A_14 = arith.constant 0 : index
    %swap3A_15 = arith.constant 0 : index
    %swap3A_16 = vector.load %arg4[%swap3A_14, %swap3A_15] : memref<400x16xf32, #tpu.memory_space<vmem>>, vector<400x16xf32>
    tpu.vector_store %arg4[%swap3A_14, %swap3A_15], %mul3A {strides = array<i32>} : memref<400x16xf32, #tpu.memory_space<vmem>>, vector<400x16xf32>,
    return
  }
  func.func @transform_0(%arg0: i32) -> (i32, i32, i32) {
    %c0_i32 = arith.constant 0 : i32
    %c0_i32_0 = arith.constant 0 : i32
    %c0_i32_1 = arith.constant 0 : i32
    return %c0_i32, %arg0, %c0_i32_0 : i32, i32, i32
  }
  func.func @transform_1(%arg0: i32) -> (i32, i32) {
    %c0_i32 = arith.constant 0 : i32
    %c0_i32_0 = arith.constant 0 : i32
    return %arg0, %c0_i32 : i32, i32
  }
  func.func @transform_2(%arg0: i32) -> (i32, i32) {
    %c0_i32 = arith.constant 0 : i32
    %c0_i32_0 = arith.constant 0 : i32
    return %arg0, %c0_i32 : i32, i32
  }
  func.func @transform_3(%arg0: i32) -> (i32, i32) {
    %c0_i32 = arith.constant 0 : i32
    %c0_i32_0 = arith.constant 0 : i32
    return %arg0, %c0_i32 : i32, i32
  }
}

module attributes {stable_mosaic.version = 14 : i64} {
  func.func @body(%arg0: i32, %arg1: memref<400x128xf32, #tpu.memory_space<vmem>>, %arg2: memref<8x128xf32, #tpu.memory_space<vmem>>, %arg3: memref<8x128xf32, #tpu.memory_space<vmem>>, %arg4: memref<1x128xf32, #tpu.memory_space<vmem>>, %arg5: memref<1x128xf32, #tpu.memory_space<vmem>>, %arg6: memref<128x64xf32, #tpu.memory_space<vmem>>, %arg7: memref<400x16xf32, #tpu.memory_space<vmem>>, %arg8: memref<400x32xf32, #tpu.memory_space<vmem>>, %arg9: memref<400x32xf32, #tpu.memory_space<vmem>>) attributes {dimension_semantics = [#tpu.dimension_semantics<arbitrary>], iteration_bounds = array<i64: 125>, scalar_prefetch = 0 : i64, scratch_operands = 0 : i64, tpu.core_type = #tpu.core_type<tc>, window_params = [{transform_indices = @transform_0, window_bounds = array<i64: 400, 128>}, {pipeline_mode = #tpu.pipeline_mode<synchronous>, transform_indices = @transform_1, window_bounds = array<i64: 8, 128>}, {pipeline_mode = #tpu.pipeline_mode<synchronous>, transform_indices = @transform_2, window_bounds = array<i64: 8, 128>}, {pipeline_mode = #tpu.pipeline_mode<synchronous>, transform_indices = @transform_3, window_bounds = array<i64: 1, 128>}, {pipeline_mode = #tpu.pipeline_mode<synchronous>, transform_indices = @transform_4, window_bounds = array<i64: 1, 128>}, {pipeline_mode = #tpu.pipeline_mode<synchronous>, transform_indices = @transform_5, window_bounds = array<i64: 128, 64>}, {transform_indices = @transform_6, window_bounds = array<i64: 400, 16>}, {transform_indices = @transform_7, window_bounds = array<i64: 400, 32>}, {transform_indices = @transform_8, window_bounds = array<i64: 400, 32>}]} {
    %get3A = arith.constant 0 : index
    %get3A_0 = arith.constant 0 : index
    %get3A_1 = vector.load %arg2[%get3A, %get3A_0] : memref<8x128xf32, #tpu.memory_space<vmem>>, vector<8x128xf32>
    %reduce_sum3A = arith.constant dense<0.000000e+00> : vector<128xf32>
    %reduce_sum3A_2 = vector.multi_reduction <add>, %get3A_1, %reduce_sum3A [0] : vector<8x128xf32> to vector<128xf32>
    %broadcast_in_dim3A = vector.shape_cast %reduce_sum3A_2 : vector<128xf32> to vector<1x128xf32>
    %div3A = arith.constant 5.000000e+04 : f32
    %div3A_3 = vector.broadcast %div3A : f32 to vector<1x128xf32>
    %div3A_4 = arith.divf %broadcast_in_dim3A, %div3A_3 : vector<1x128xf32>
    %get3A_5 = arith.constant 0 : index
    %get3A_6 = arith.constant 0 : index
    %get3A_7 = vector.load %arg3[%get3A_5, %get3A_6] : memref<8x128xf32, #tpu.memory_space<vmem>>, vector<8x128xf32>
    %reduce_sum3A_8 = arith.constant dense<0.000000e+00> : vector<128xf32>
    %reduce_sum3A_9 = vector.multi_reduction <add>, %get3A_7, %reduce_sum3A_8 [0] : vector<8x128xf32> to vector<128xf32>
    %broadcast_in_dim3A_10 = vector.shape_cast %reduce_sum3A_9 : vector<128xf32> to vector<1x128xf32>
    %div3A_11 = arith.constant 5.000000e+04 : f32
    %div3A_12 = vector.broadcast %div3A_11 : f32 to vector<1x128xf32>
    %div3A_13 = arith.divf %broadcast_in_dim3A_10, %div3A_12 : vector<1x128xf32>
    %mul3A = arith.mulf %div3A_4, %div3A_4 : vector<1x128xf32>
    %sub3A = arith.subf %div3A_13, %mul3A : vector<1x128xf32>
    %add3A = arith.constant 9.99999974E-6 : f32
    %add3A_14 = vector.broadcast %add3A : f32 to vector<1x128xf32>
    %add3A_15 = arith.addf %sub3A, %add3A_14 : vector<1x128xf32>
    %rsqrt3A = math.rsqrt %add3A_15 : vector<1x128xf32>
    %get3A_16 = arith.constant 0 : index
    %get3A_17 = arith.constant 0 : index
    %get3A_18 = vector.load %arg1[%get3A_16, %get3A_17] : memref<400x128xf32, #tpu.memory_space<vmem>>, vector<400x128xf32>
    %sub3A_19 = vector.broadcast %div3A_4 : vector<1x128xf32> to vector<400x128xf32>
    %sub3A_20 = arith.subf %get3A_18, %sub3A_19 : vector<400x128xf32>
    %mul3A_21 = vector.broadcast %rsqrt3A : vector<1x128xf32> to vector<400x128xf32>
    %mul3A_22 = arith.mulf %sub3A_20, %mul3A_21 : vector<400x128xf32>
    %get3A_23 = arith.constant 0 : index
    %get3A_24 = arith.constant 0 : index
    %get3A_25 = vector.load %arg4[%get3A_23, %get3A_24] : memref<1x128xf32, #tpu.memory_space<vmem>>, vector<1x128xf32>
    %mul3A_26 = vector.broadcast %get3A_25 : vector<1x128xf32> to vector<400x128xf32>
    %mul3A_27 = arith.mulf %mul3A_22, %mul3A_26 : vector<400x128xf32>
    %get3A_28 = arith.constant 0 : index
    %get3A_29 = arith.constant 0 : index
    %get3A_30 = vector.load %arg5[%get3A_28, %get3A_29] : memref<1x128xf32, #tpu.memory_space<vmem>>, vector<1x128xf32>
    %add3A_31 = vector.broadcast %get3A_30 : vector<1x128xf32> to vector<400x128xf32>
    %add3A_32 = arith.addf %mul3A_27, %add3A_31 : vector<400x128xf32>
    %get3A_33 = arith.constant 0 : index
    %get3A_34 = arith.constant 0 : index
    %get3A_35 = vector.load %arg6[%get3A_33, %get3A_34] : memref<128x64xf32, #tpu.memory_space<vmem>>, vector<128x64xf32>
    %dot_general3A = arith.constant dense<0.000000e+00> : vector<400x64xf32>
    %dot_general3A_36 = tpu.matmul %add3A_32, %get3A_35, %dot_general3A {dimension_numbers = #tpu.dot_dimension_numbers<[1], [0], [0], [1], [0, 0, 1, 1], [], []>, transpose_lhs_hint = false} : vector<400x128xf32>, vector<128x64xf32>, vector<400x64xf32> -> vector<400x64xf32>
    %get3A_37 = arith.constant 0 : index
    %get3A_38 = arith.constant 0 : index
    %get3A_39 = vector.load %arg7[%get3A_37, %get3A_38] : memref<400x16xf32, #tpu.memory_space<vmem>>, vector<400x16xf32>
    %slice3A = vector.extract_strided_slice %get3A_39 {offsets = [0, 0], sizes = [400, 1], strides = [1, 1]} : vector<400x16xf32> to vector<400x1xf32>
    %mul3A_40 = vector.broadcast %slice3A : vector<400x1xf32> to vector<400x64xf32>
    %mul3A_41 = arith.mulf %mul3A_40, %dot_general3A_36 : vector<400x64xf32>
    %slice3A_42 = vector.extract_strided_slice %mul3A_41 {offsets = [0, 0], sizes = [400, 32], strides = [1, 1]} : vector<400x64xf32> to vector<400x32xf32>
    %swap3A = arith.constant 0 : index
    %swap3A_43 = arith.constant 0 : index
    %swap3A_44 = vector.load %arg8[%swap3A, %swap3A_43] : memref<400x32xf32, #tpu.memory_space<vmem>>, vector<400x32xf32>
    tpu.vector_store %arg8[%swap3A, %swap3A_43], %slice3A_42 {strides = array<i32>} : memref<400x32xf32, #tpu.memory_space<vmem>>, vector<400x32xf32>,
    %slice3A_45 = vector.extract_strided_slice %mul3A_41 {offsets = [0, 32], sizes = [400, 32], strides = [1, 1]} : vector<400x64xf32> to vector<400x32xf32>
    %swap3A_46 = arith.constant 0 : index
    %swap3A_47 = arith.constant 0 : index
    %swap3A_48 = vector.load %arg9[%swap3A_46, %swap3A_47] : memref<400x32xf32, #tpu.memory_space<vmem>>, vector<400x32xf32>
    tpu.vector_store %arg9[%swap3A_46, %swap3A_47], %slice3A_45 {strides = array<i32>} : memref<400x32xf32, #tpu.memory_space<vmem>>, vector<400x32xf32>,
    return
  }
  func.func @transform_0(%arg0: i32) -> (i32, i32) {
    %c0_i32 = arith.constant 0 : i32
    %c0_i32_0 = arith.constant 0 : i32
    return %arg0, %c0_i32 : i32, i32
  }
  func.func @transform_1(%arg0: i32) -> (i32, i32) {
    %c0_i32 = arith.constant 0 : i32
    %c0_i32_0 = arith.constant 0 : i32
    %c0_i32_1 = arith.constant 0 : i32
    return %c0_i32, %c0_i32_0 : i32, i32
  }
  func.func @transform_2(%arg0: i32) -> (i32, i32) {
    %c0_i32 = arith.constant 0 : i32
    %c0_i32_0 = arith.constant 0 : i32
    %c0_i32_1 = arith.constant 0 : i32
    return %c0_i32, %c0_i32_0 : i32, i32
  }
  func.func @transform_3(%arg0: i32) -> (i32, i32) {
    %c0_i32 = arith.constant 0 : i32
    %c0_i32_0 = arith.constant 0 : i32
    %c0_i32_1 = arith.constant 0 : i32
    return %c0_i32, %c0_i32_0 : i32, i32
  }
  func.func @transform_4(%arg0: i32) -> (i32, i32) {
    %c0_i32 = arith.constant 0 : i32
    %c0_i32_0 = arith.constant 0 : i32
    %c0_i32_1 = arith.constant 0 : i32
    return %c0_i32, %c0_i32_0 : i32, i32
  }
  func.func @transform_5(%arg0: i32) -> (i32, i32) {
    %c0_i32 = arith.constant 0 : i32
    %c0_i32_0 = arith.constant 0 : i32
    %c0_i32_1 = arith.constant 0 : i32
    return %c0_i32, %c0_i32_0 : i32, i32
  }
  func.func @transform_6(%arg0: i32) -> (i32, i32) {
    %c0_i32 = arith.constant 0 : i32
    %c0_i32_0 = arith.constant 0 : i32
    return %arg0, %c0_i32 : i32, i32
  }
  func.func @transform_7(%arg0: i32) -> (i32, i32) {
    %c0_i32 = arith.constant 0 : i32
    %c0_i32_0 = arith.constant 0 : i32
    return %arg0, %c0_i32 : i32, i32
  }
  func.func @transform_8(%arg0: i32) -> (i32, i32) {
    %c0_i32 = arith.constant 0 : i32
    %c0_i32_0 = arith.constant 0 : i32
    return %arg0, %c0_i32 : i32, i32
  }
}

module attributes {stable_mosaic.version = 14 : i64} {
  func.func @body(%arg0: i32, %arg1: memref<2x400x16xf32, #tpu.memory_space<vmem>>, %arg2: memref<400x16xf32, #tpu.memory_space<vmem>>, %arg3: memref<400x16xf32, #tpu.memory_space<vmem>>, %arg4: memref<16x128xf32, #tpu.memory_space<vmem>>, %arg5: memref<1x128xf32, #tpu.memory_space<vmem>>, %arg6: memref<400x128xf32, #tpu.memory_space<vmem>>, %arg7: memref<8x128xf32, #tpu.memory_space<vmem>>, %arg8: memref<8x128xf32, #tpu.memory_space<vmem>>) attributes {dimension_semantics = [#tpu.dimension_semantics<arbitrary>], iteration_bounds = array<i64: 125>, scalar_prefetch = 0 : i64, scratch_operands = 0 : i64, tpu.core_type = #tpu.core_type<tc>, window_params = [{transform_indices = @transform_0, window_bounds = array<i64: 2, 400, 16>}, {transform_indices = @transform_1, window_bounds = array<i64: 400, 16>}, {transform_indices = @transform_2, window_bounds = array<i64: 400, 16>}, {pipeline_mode = #tpu.pipeline_mode<synchronous>, transform_indices = @transform_3, window_bounds = array<i64: 16, 128>}, {pipeline_mode = #tpu.pipeline_mode<synchronous>, transform_indices = @transform_4, window_bounds = array<i64: 1, 128>}, {transform_indices = @transform_5, window_bounds = array<i64: 400, 128>}, {pipeline_mode = #tpu.pipeline_mode<synchronous>, transform_indices = @transform_6, window_bounds = array<i64: 8, 128>}, {pipeline_mode = #tpu.pipeline_mode<synchronous>, transform_indices = @transform_7, window_bounds = array<i64: 8, 128>}]} {
    %get3A = arith.constant 0 : index
    %get3A_0 = arith.constant 0 : index
    %get3A_1 = arith.constant 0 : index
    %get3A_2 = vector.load %arg1[%get3A, %get3A_0, %get3A_1] : memref<2x400x16xf32, #tpu.memory_space<vmem>>, vector<2x400x16xf32>
    %slice3A = vector.extract_strided_slice %get3A_2 {offsets = [0, 0, 0], sizes = [1, 400, 16], strides = [1, 1, 1]} : vector<2x400x16xf32> to vector<1x400x16xf32>
    %squeeze3A = vector.shape_cast %slice3A : vector<1x400x16xf32> to vector<400x16xf32>
    %slice3A_3 = vector.extract_strided_slice %get3A_2 {offsets = [1, 0, 0], sizes = [1, 400, 16], strides = [1, 1, 1]} : vector<2x400x16xf32> to vector<1x400x16xf32>
    %squeeze3A_4 = vector.shape_cast %slice3A_3 : vector<1x400x16xf32> to vector<400x16xf32>
    %add3A = arith.addf %squeeze3A, %squeeze3A_4 : vector<400x16xf32>
    %get3A_5 = arith.constant 0 : index
    %get3A_6 = arith.constant 0 : index
    %get3A_7 = vector.load %arg2[%get3A_5, %get3A_6] : memref<400x16xf32, #tpu.memory_space<vmem>>, vector<400x16xf32>
    %add3A_8 = arith.addf %add3A, %get3A_7 : vector<400x16xf32>
    %get3A_9 = arith.constant 0 : index
    %get3A_10 = arith.constant 0 : index
    %get3A_11 = vector.load %arg3[%get3A_9, %get3A_10] : memref<400x16xf32, #tpu.memory_space<vmem>>, vector<400x16xf32>
    %mul3A = arith.mulf %get3A_11, %add3A_8 : vector<400x16xf32>
    %get3A_12 = arith.constant 0 : index
    %get3A_13 = arith.constant 0 : index
    %get3A_14 = vector.load %arg4[%get3A_12, %get3A_13] : memref<16x128xf32, #tpu.memory_space<vmem>>, vector<16x128xf32>
    %dot_general3A = arith.constant dense<0.000000e+00> : vector<400x128xf32>
    %dot_general3A_15 = tpu.matmul %mul3A, %get3A_14, %dot_general3A {dimension_numbers = #tpu.dot_dimension_numbers<[1], [0], [0], [1], [0, 0, 1, 1], [], []>, transpose_lhs_hint = false} : vector<400x16xf32>, vector<16x128xf32>, vector<400x128xf32> -> vector<400x128xf32>
    %get3A_16 = arith.constant 0 : index
    %get3A_17 = arith.constant 0 : index
    %get3A_18 = vector.load %arg5[%get3A_16, %get3A_17] : memref<1x128xf32, #tpu.memory_space<vmem>>, vector<1x128xf32>
    %add3A_19 = vector.broadcast %get3A_18 : vector<1x128xf32> to vector<400x128xf32>
    %add3A_20 = arith.addf %dot_general3A_15, %add3A_19 : vector<400x128xf32>
    %max3A = arith.constant 0.000000e+00 : f32
    %max3A_21 = vector.broadcast %max3A : f32 to vector<400x128xf32>
    %max3A_22 = arith.maximumf %add3A_20, %max3A_21 : vector<400x128xf32>
    %swap3A = arith.constant 0 : index
    %swap3A_23 = arith.constant 0 : index
    %swap3A_24 = vector.load %arg6[%swap3A, %swap3A_23] : memref<400x128xf32, #tpu.memory_space<vmem>>, vector<400x128xf32>
    tpu.vector_store %arg6[%swap3A, %swap3A_23], %max3A_22 {strides = array<i32>} : memref<400x128xf32, #tpu.memory_space<vmem>>, vector<400x128xf32>,
    %eq3A = arith.constant 0 : i32
    %eq3A_25 = arith.cmpi eq, %arg0, %eq3A : i32
    %convert_element_type3A = arith.extui %eq3A_25 : i1 to i32
    %cond3A = arith.constant 0 : i32
    %cond3A_26 = arith.cmpi ne, %convert_element_type3A, %cond3A : i32
    scf.if %cond3A_26 {
      %broadcast_in_dim3A = arith.constant 0.000000e+00 : f32
      %broadcast_in_dim3A_45 = vector.broadcast %broadcast_in_dim3A : f32 to vector<8x128xf32>
      %swap3A_46 = arith.constant 0 : index
      %swap3A_47 = arith.constant 0 : index
      %swap3A_48 = vector.load %arg7[%swap3A_46, %swap3A_47] : memref<8x128xf32, #tpu.memory_space<vmem>>, vector<8x128xf32>
      tpu.vector_store %arg7[%swap3A_46, %swap3A_47], %broadcast_in_dim3A_45 {strides = array<i32>} : memref<8x128xf32, #tpu.memory_space<vmem>>, vector<8x128xf32>,
      %broadcast_in_dim3A_49 = arith.constant 0.000000e+00 : f32
      %broadcast_in_dim3A_50 = vector.broadcast %broadcast_in_dim3A_49 : f32 to vector<8x128xf32>
      %swap3A_51 = arith.constant 0 : index
      %swap3A_52 = arith.constant 0 : index
      %swap3A_53 = vector.load %arg8[%swap3A_51, %swap3A_52] : memref<8x128xf32, #tpu.memory_space<vmem>>, vector<8x128xf32>
      tpu.vector_store %arg8[%swap3A_51, %swap3A_52], %broadcast_in_dim3A_50 {strides = array<i32>} : memref<8x128xf32, #tpu.memory_space<vmem>>, vector<8x128xf32>,
    } else {
    }
    %reshape3A = vector.shape_cast %max3A_22 : vector<400x128xf32> to vector<50x8x128xf32>
    %get3A_27 = arith.constant 0 : index
    %get3A_28 = arith.constant 0 : index
    %get3A_29 = vector.load %arg7[%get3A_27, %get3A_28] : memref<8x128xf32, #tpu.memory_space<vmem>>, vector<8x128xf32>
    %reduce_sum3A = arith.constant dense<0.000000e+00> : vector<8x128xf32>
    %reduce_sum3A_30 = vector.multi_reduction <add>, %reshape3A, %reduce_sum3A [0] : vector<50x8x128xf32> to vector<8x128xf32>
    %add3A_31 = arith.addf %get3A_29, %reduce_sum3A_30 : vector<8x128xf32>
    %swap3A_32 = arith.constant 0 : index
    %swap3A_33 = arith.constant 0 : index
    %swap3A_34 = vector.load %arg7[%swap3A_32, %swap3A_33] : memref<8x128xf32, #tpu.memory_space<vmem>>, vector<8x128xf32>
    tpu.vector_store %arg7[%swap3A_32, %swap3A_33], %add3A_31 {strides = array<i32>} : memref<8x128xf32, #tpu.memory_space<vmem>>, vector<8x128xf32>,
    %get3A_35 = arith.constant 0 : index
    %get3A_36 = arith.constant 0 : index
    %get3A_37 = vector.load %arg8[%get3A_35, %get3A_36] : memref<8x128xf32, #tpu.memory_space<vmem>>, vector<8x128xf32>
    %mul3A_38 = arith.mulf %reshape3A, %reshape3A : vector<50x8x128xf32>
    %reduce_sum3A_39 = arith.constant dense<0.000000e+00> : vector<8x128xf32>
    %reduce_sum3A_40 = vector.multi_reduction <add>, %mul3A_38, %reduce_sum3A_39 [0] : vector<50x8x128xf32> to vector<8x128xf32>
    %add3A_41 = arith.addf %get3A_37, %reduce_sum3A_40 : vector<8x128xf32>
    %swap3A_42 = arith.constant 0 : index
    %swap3A_43 = arith.constant 0 : index
    %swap3A_44 = vector.load %arg8[%swap3A_42, %swap3A_43] : memref<8x128xf32, #tpu.memory_space<vmem>>, vector<8x128xf32>
    tpu.vector_store %arg8[%swap3A_42, %swap3A_43], %add3A_41 {strides = array<i32>} : memref<8x128xf32, #tpu.memory_space<vmem>>, vector<8x128xf32>,
    return
  }
  func.func @transform_0(%arg0: i32) -> (i32, i32, i32) {
    %c0_i32 = arith.constant 0 : i32
    %c0_i32_0 = arith.constant 0 : i32
    %c0_i32_1 = arith.constant 0 : i32
    return %c0_i32, %arg0, %c0_i32_0 : i32, i32, i32
  }
  func.func @transform_1(%arg0: i32) -> (i32, i32) {
    %c0_i32 = arith.constant 0 : i32
    %c0_i32_0 = arith.constant 0 : i32
    return %arg0, %c0_i32 : i32, i32
  }
  func.func @transform_2(%arg0: i32) -> (i32, i32) {
    %c0_i32 = arith.constant 0 : i32
    %c0_i32_0 = arith.constant 0 : i32
    return %arg0, %c0_i32 : i32, i32
  }
  func.func @transform_3(%arg0: i32) -> (i32, i32) {
    %c0_i32 = arith.constant 0 : i32
    %c0_i32_0 = arith.constant 0 : i32
    %c0_i32_1 = arith.constant 0 : i32
    return %c0_i32, %c0_i32_0 : i32, i32
  }
  func.func @transform_4(%arg0: i32) -> (i32, i32) {
    %c0_i32 = arith.constant 0 : i32
    %c0_i32_0 = arith.constant 0 : i32
    %c0_i32_1 = arith.constant 0 : i32
    return %c0_i32, %c0_i32_0 : i32, i32
  }
  func.func @transform_5(%arg0: i32) -> (i32, i32) {
    %c0_i32 = arith.constant 0 : i32
    %c0_i32_0 = arith.constant 0 : i32
    return %arg0, %c0_i32 : i32, i32
  }
  func.func @transform_6(%arg0: i32) -> (i32, i32) {
    %c0_i32 = arith.constant 0 : i32
    %c0_i32_0 = arith.constant 0 : i32
    %c0_i32_1 = arith.constant 0 : i32
    return %c0_i32, %c0_i32_0 : i32, i32
  }
  func.func @transform_7(%arg0: i32) -> (i32, i32) {
    %c0_i32 = arith.constant 0 : i32
    %c0_i32_0 = arith.constant 0 : i32
    %c0_i32_1 = arith.constant 0 : i32
    return %c0_i32, %c0_i32_0 : i32, i32
  }
}

module attributes {stable_mosaic.version = 14 : i64} {
  func.func @body(%arg0: i32, %arg1: i32, %arg2: memref<1x400x32xf32, #tpu.memory_space<vmem>>, %arg3: memref<400x32xf32, #tpu.memory_space<vmem>>, %arg4: memref<400x16xf32, #tpu.memory_space<vmem>>, %arg5: memref<1x1x32xf32, #tpu.memory_space<vmem>>, %arg6: memref<1x400x32xf32, #tpu.memory_space<vmem>>, %arg7: memref<1x8x32xf32, #tpu.memory_space<vmem>>, %arg8: memref<1x8x32xf32, #tpu.memory_space<vmem>>) attributes {dimension_semantics = [#tpu.dimension_semantics<arbitrary>, #tpu.dimension_semantics<arbitrary>], iteration_bounds = array<i64: 2, 125>, scalar_prefetch = 0 : i64, scratch_operands = 0 : i64, tpu.core_type = #tpu.core_type<tc>, window_params = [{transform_indices = @transform_0, window_bounds = array<i64: 1, 400, 32>}, {transform_indices = @transform_1, window_bounds = array<i64: 400, 32>}, {transform_indices = @transform_2, window_bounds = array<i64: 400, 16>}, {transform_indices = @transform_3, window_bounds = array<i64: 1, 1, 32>}, {transform_indices = @transform_4, window_bounds = array<i64: 1, 400, 32>}, {transform_indices = @transform_5, window_bounds = array<i64: 1, 8, 32>}, {transform_indices = @transform_6, window_bounds = array<i64: 1, 8, 32>}]} {
    %get3A = arith.constant 0 : index
    %get3A_0 = arith.constant 0 : index
    %get3A_1 = arith.constant 0 : index
    %get3A_2 = vector.load %arg2[%get3A, %get3A_0, %get3A_1] : memref<1x400x32xf32, #tpu.memory_space<vmem>>, vector<1x400x32xf32>
    %squeeze3A = vector.shape_cast %get3A_2 : vector<1x400x32xf32> to vector<400x32xf32>
    %get3A_3 = arith.constant 0 : index
    %get3A_4 = arith.constant 0 : index
    %get3A_5 = vector.load %arg3[%get3A_3, %get3A_4] : memref<400x32xf32, #tpu.memory_space<vmem>>, vector<400x32xf32>
    %add3A = arith.addf %squeeze3A, %get3A_5 : vector<400x32xf32>
    %get3A_6 = arith.constant 0 : index
    %get3A_7 = arith.constant 0 : index
    %get3A_8 = vector.load %arg4[%get3A_6, %get3A_7] : memref<400x16xf32, #tpu.memory_space<vmem>>, vector<400x16xf32>
    %slice3A = vector.extract_strided_slice %get3A_8 {offsets = [0, 0], sizes = [400, 1], strides = [1, 1]} : vector<400x16xf32> to vector<400x1xf32>
    %mul3A = vector.broadcast %slice3A : vector<400x1xf32> to vector<400x32xf32>
    %mul3A_9 = arith.mulf %mul3A, %add3A : vector<400x32xf32>
    %get3A_10 = arith.constant 0 : index
    %get3A_11 = arith.constant 0 : index
    %get3A_12 = arith.constant 0 : index
    %get3A_13 = vector.load %arg5[%get3A_10, %get3A_11, %get3A_12] : memref<1x1x32xf32, #tpu.memory_space<vmem>>, vector<1x1x32xf32>
    %squeeze3A_14 = vector.shape_cast %get3A_13 : vector<1x1x32xf32> to vector<1x32xf32>
    %add3A_15 = vector.broadcast %squeeze3A_14 : vector<1x32xf32> to vector<400x32xf32>
    %add3A_16 = arith.addf %mul3A_9, %add3A_15 : vector<400x32xf32>
    %max3A = arith.constant 0.000000e+00 : f32
    %max3A_17 = vector.broadcast %max3A : f32 to vector<400x32xf32>
    %max3A_18 = arith.maximumf %add3A_16, %max3A_17 : vector<400x32xf32>
    %broadcast_in_dim3A = vector.shape_cast %max3A_18 : vector<400x32xf32> to vector<1x400x32xf32>
    %swap3A = arith.constant 0 : index
    %swap3A_19 = arith.constant 0 : index
    %swap3A_20 = arith.constant 0 : index
    %swap3A_21 = vector.load %arg6[%swap3A, %swap3A_19, %swap3A_20] : memref<1x400x32xf32, #tpu.memory_space<vmem>>, vector<1x400x32xf32>
    tpu.vector_store %arg6[%swap3A, %swap3A_19, %swap3A_20], %broadcast_in_dim3A {strides = array<i32>} : memref<1x400x32xf32, #tpu.memory_space<vmem>>, vector<1x400x32xf32>,
    %eq3A = arith.constant 0 : i32
    %eq3A_22 = arith.cmpi eq, %arg1, %eq3A : i32
    %convert_element_type3A = arith.extui %eq3A_22 : i1 to i32
    %cond3A = arith.constant 0 : i32
    %cond3A_23 = arith.cmpi ne, %convert_element_type3A, %cond3A : i32
    scf.if %cond3A_23 {
      %broadcast_in_dim3A_48 = arith.constant 0.000000e+00 : f32
      %broadcast_in_dim3A_49 = vector.broadcast %broadcast_in_dim3A_48 : f32 to vector<1x8x32xf32>
      %swap3A_50 = arith.constant 0 : index
      %swap3A_51 = arith.constant 0 : index
      %swap3A_52 = arith.constant 0 : index
      %swap3A_53 = vector.load %arg7[%swap3A_50, %swap3A_51, %swap3A_52] : memref<1x8x32xf32, #tpu.memory_space<vmem>>, vector<1x8x32xf32>
      tpu.vector_store %arg7[%swap3A_50, %swap3A_51, %swap3A_52], %broadcast_in_dim3A_49 {strides = array<i32>} : memref<1x8x32xf32, #tpu.memory_space<vmem>>, vector<1x8x32xf32>,
      %broadcast_in_dim3A_54 = arith.constant 0.000000e+00 : f32
      %broadcast_in_dim3A_55 = vector.broadcast %broadcast_in_dim3A_54 : f32 to vector<1x8x32xf32>
      %swap3A_56 = arith.constant 0 : index
      %swap3A_57 = arith.constant 0 : index
      %swap3A_58 = arith.constant 0 : index
      %swap3A_59 = vector.load %arg8[%swap3A_56, %swap3A_57, %swap3A_58] : memref<1x8x32xf32, #tpu.memory_space<vmem>>, vector<1x8x32xf32>
      tpu.vector_store %arg8[%swap3A_56, %swap3A_57, %swap3A_58], %broadcast_in_dim3A_55 {strides = array<i32>} : memref<1x8x32xf32, #tpu.memory_space<vmem>>, vector<1x8x32xf32>,
    } else {
    }
    %reshape3A = vector.shape_cast %max3A_18 : vector<400x32xf32> to vector<50x8x32xf32>
    %get3A_24 = arith.constant 0 : index
    %get3A_25 = arith.constant 0 : index
    %get3A_26 = arith.constant 0 : index
    %get3A_27 = vector.load %arg7[%get3A_24, %get3A_25, %get3A_26] : memref<1x8x32xf32, #tpu.memory_space<vmem>>, vector<1x8x32xf32>
    %reduce_sum3A = arith.constant dense<0.000000e+00> : vector<8x32xf32>
    %reduce_sum3A_28 = vector.multi_reduction <add>, %reshape3A, %reduce_sum3A [0] : vector<50x8x32xf32> to vector<8x32xf32>
    %broadcast_in_dim3A_29 = vector.shape_cast %reduce_sum3A_28 : vector<8x32xf32> to vector<1x8x32xf32>
    %add3A_30 = arith.addf %get3A_27, %broadcast_in_dim3A_29 : vector<1x8x32xf32>
    %swap3A_31 = arith.constant 0 : index
    %swap3A_32 = arith.constant 0 : index
    %swap3A_33 = arith.constant 0 : index
    %swap3A_34 = vector.load %arg7[%swap3A_31, %swap3A_32, %swap3A_33] : memref<1x8x32xf32, #tpu.memory_space<vmem>>, vector<1x8x32xf32>
    tpu.vector_store %arg7[%swap3A_31, %swap3A_32, %swap3A_33], %add3A_30 {strides = array<i32>} : memref<1x8x32xf32, #tpu.memory_space<vmem>>, vector<1x8x32xf32>,
    %get3A_35 = arith.constant 0 : index
    %get3A_36 = arith.constant 0 : index
    %get3A_37 = arith.constant 0 : index
    %get3A_38 = vector.load %arg8[%get3A_35, %get3A_36, %get3A_37] : memref<1x8x32xf32, #tpu.memory_space<vmem>>, vector<1x8x32xf32>
    %mul3A_39 = arith.mulf %reshape3A, %reshape3A : vector<50x8x32xf32>
    %reduce_sum3A_40 = arith.constant dense<0.000000e+00> : vector<8x32xf32>
    %reduce_sum3A_41 = vector.multi_reduction <add>, %mul3A_39, %reduce_sum3A_40 [0] : vector<50x8x32xf32> to vector<8x32xf32>
    %broadcast_in_dim3A_42 = vector.shape_cast %reduce_sum3A_41 : vector<8x32xf32> to vector<1x8x32xf32>
    %add3A_43 = arith.addf %get3A_38, %broadcast_in_dim3A_42 : vector<1x8x32xf32>
    %swap3A_44 = arith.constant 0 : index
    %swap3A_45 = arith.constant 0 : index
    %swap3A_46 = arith.constant 0 : index
    %swap3A_47 = vector.load %arg8[%swap3A_44, %swap3A_45, %swap3A_46] : memref<1x8x32xf32, #tpu.memory_space<vmem>>, vector<1x8x32xf32>
    tpu.vector_store %arg8[%swap3A_44, %swap3A_45, %swap3A_46], %add3A_43 {strides = array<i32>} : memref<1x8x32xf32, #tpu.memory_space<vmem>>, vector<1x8x32xf32>,
    return
  }
  func.func @transform_0(%arg0: i32, %arg1: i32) -> (i32, i32, i32) {
    %c0_i32 = arith.constant 0 : i32
    %c0_i32_0 = arith.constant 0 : i32
    return %arg0, %arg1, %c0_i32 : i32, i32, i32
  }
  func.func @transform_1(%arg0: i32, %arg1: i32) -> (i32, i32) {
    %mul3A = arith.constant 125 : i32
    %mul3A_0 = arith.muli %arg0, %mul3A : i32
    %add3A = arith.addi %mul3A_0, %arg1 : i32
    %c0_i32 = arith.constant 0 : i32
    %c0_i32_1 = arith.constant 0 : i32
    return %add3A, %c0_i32 : i32, i32
  }
  func.func @transform_2(%arg0: i32, %arg1: i32) -> (i32, i32) {
    %c0_i32 = arith.constant 0 : i32
    %c0_i32_0 = arith.constant 0 : i32
    return %arg1, %c0_i32 : i32, i32
  }
  func.func @transform_3(%arg0: i32, %arg1: i32) -> (i32, i32, i32) {
    %c0_i32 = arith.constant 0 : i32
    %c0_i32_0 = arith.constant 0 : i32
    %c0_i32_1 = arith.constant 0 : i32
    return %arg0, %c0_i32, %c0_i32_0 : i32, i32, i32
  }
  func.func @transform_4(%arg0: i32, %arg1: i32) -> (i32, i32, i32) {
    %c0_i32 = arith.constant 0 : i32
    %c0_i32_0 = arith.constant 0 : i32
    return %arg0, %arg1, %c0_i32 : i32, i32, i32
  }
  func.func @transform_5(%arg0: i32, %arg1: i32) -> (i32, i32, i32) {
    %c0_i32 = arith.constant 0 : i32
    %c0_i32_0 = arith.constant 0 : i32
    %c0_i32_1 = arith.constant 0 : i32
    return %arg0, %c0_i32, %c0_i32_0 : i32, i32, i32
  }
  func.func @transform_6(%arg0: i32, %arg1: i32) -> (i32, i32, i32) {
    %c0_i32 = arith.constant 0 : i32
    %c0_i32_0 = arith.constant 0 : i32
    %c0_i32_1 = arith.constant 0 : i32
    return %arg0, %c0_i32, %c0_i32_0 : i32, i32, i32
  }
}

module attributes {stable_mosaic.version = 14 : i64} {
  func.func @body(%arg0: i32, %arg1: i32, %arg2: memref<1x400x32xf32, #tpu.memory_space<vmem>>, %arg3: memref<1x8x32xf32, #tpu.memory_space<vmem>>, %arg4: memref<1x8x32xf32, #tpu.memory_space<vmem>>, %arg5: memref<1x1x32xf32, #tpu.memory_space<vmem>>, %arg6: memref<1x1x32xf32, #tpu.memory_space<vmem>>, %arg7: memref<1x1x400xi32, #tpu.memory_space<vmem>>, %arg8: memref<1x64x32xf32, #tpu.memory_space<vmem>>) attributes {dimension_semantics = [#tpu.dimension_semantics<arbitrary>, #tpu.dimension_semantics<arbitrary>], iteration_bounds = array<i64: 2, 125>, scalar_prefetch = 0 : i64, scratch_operands = 0 : i64, tpu.core_type = #tpu.core_type<tc>, window_params = [{transform_indices = @transform_0, window_bounds = array<i64: 1, 400, 32>}, {transform_indices = @transform_1, window_bounds = array<i64: 1, 8, 32>}, {transform_indices = @transform_2, window_bounds = array<i64: 1, 8, 32>}, {transform_indices = @transform_3, window_bounds = array<i64: 1, 1, 32>}, {transform_indices = @transform_4, window_bounds = array<i64: 1, 1, 32>}, {transform_indices = @transform_5, window_bounds = array<i64: 1, 1, 400>}, {transform_indices = @transform_6, window_bounds = array<i64: 1, 64, 32>}]} {
    %get3A = arith.constant 0 : index
    %get3A_0 = arith.constant 0 : index
    %get3A_1 = arith.constant 0 : index
    %get3A_2 = vector.load %arg3[%get3A, %get3A_0, %get3A_1] : memref<1x8x32xf32, #tpu.memory_space<vmem>>, vector<1x8x32xf32>
    %squeeze3A = vector.shape_cast %get3A_2 : vector<1x8x32xf32> to vector<8x32xf32>
    %reduce_sum3A = arith.constant dense<0.000000e+00> : vector<32xf32>
    %reduce_sum3A_3 = vector.multi_reduction <add>, %squeeze3A, %reduce_sum3A [0] : vector<8x32xf32> to vector<32xf32>
    %broadcast_in_dim3A = vector.shape_cast %reduce_sum3A_3 : vector<32xf32> to vector<1x32xf32>
    %div3A = arith.constant 5.000000e+04 : f32
    %div3A_4 = vector.broadcast %div3A : f32 to vector<1x32xf32>
    %div3A_5 = arith.divf %broadcast_in_dim3A, %div3A_4 : vector<1x32xf32>
    %get3A_6 = arith.constant 0 : index
    %get3A_7 = arith.constant 0 : index
    %get3A_8 = arith.constant 0 : index
    %get3A_9 = vector.load %arg4[%get3A_6, %get3A_7, %get3A_8] : memref<1x8x32xf32, #tpu.memory_space<vmem>>, vector<1x8x32xf32>
    %squeeze3A_10 = vector.shape_cast %get3A_9 : vector<1x8x32xf32> to vector<8x32xf32>
    %reduce_sum3A_11 = arith.constant dense<0.000000e+00> : vector<32xf32>
    %reduce_sum3A_12 = vector.multi_reduction <add>, %squeeze3A_10, %reduce_sum3A_11 [0] : vector<8x32xf32> to vector<32xf32>
    %broadcast_in_dim3A_13 = vector.shape_cast %reduce_sum3A_12 : vector<32xf32> to vector<1x32xf32>
    %div3A_14 = arith.constant 5.000000e+04 : f32
    %div3A_15 = vector.broadcast %div3A_14 : f32 to vector<1x32xf32>
    %div3A_16 = arith.divf %broadcast_in_dim3A_13, %div3A_15 : vector<1x32xf32>
    %mul3A = arith.mulf %div3A_5, %div3A_5 : vector<1x32xf32>
    %sub3A = arith.subf %div3A_16, %mul3A : vector<1x32xf32>
    %add3A = arith.constant 9.99999974E-6 : f32
    %add3A_17 = vector.broadcast %add3A : f32 to vector<1x32xf32>
    %add3A_18 = arith.addf %sub3A, %add3A_17 : vector<1x32xf32>
    %rsqrt3A = math.rsqrt %add3A_18 : vector<1x32xf32>
    %get3A_19 = arith.constant 0 : index
    %get3A_20 = arith.constant 0 : index
    %get3A_21 = arith.constant 0 : index
    %get3A_22 = vector.load %arg2[%get3A_19, %get3A_20, %get3A_21] : memref<1x400x32xf32, #tpu.memory_space<vmem>>, vector<1x400x32xf32>
    %squeeze3A_23 = vector.shape_cast %get3A_22 : vector<1x400x32xf32> to vector<400x32xf32>
    %sub3A_24 = vector.broadcast %div3A_5 : vector<1x32xf32> to vector<400x32xf32>
    %sub3A_25 = arith.subf %squeeze3A_23, %sub3A_24 : vector<400x32xf32>
    %mul3A_26 = vector.broadcast %rsqrt3A : vector<1x32xf32> to vector<400x32xf32>
    %mul3A_27 = arith.mulf %sub3A_25, %mul3A_26 : vector<400x32xf32>
    %get3A_28 = arith.constant 0 : index
    %get3A_29 = arith.constant 0 : index
    %get3A_30 = arith.constant 0 : index
    %get3A_31 = vector.load %arg5[%get3A_28, %get3A_29, %get3A_30] : memref<1x1x32xf32, #tpu.memory_space<vmem>>, vector<1x1x32xf32>
    %squeeze3A_32 = vector.shape_cast %get3A_31 : vector<1x1x32xf32> to vector<1x32xf32>
    %mul3A_33 = vector.broadcast %squeeze3A_32 : vector<1x32xf32> to vector<400x32xf32>
    %mul3A_34 = arith.mulf %mul3A_27, %mul3A_33 : vector<400x32xf32>
    %get3A_35 = arith.constant 0 : index
    %get3A_36 = arith.constant 0 : index
    %get3A_37 = arith.constant 0 : index
    %get3A_38 = vector.load %arg6[%get3A_35, %get3A_36, %get3A_37] : memref<1x1x32xf32, #tpu.memory_space<vmem>>, vector<1x1x32xf32>
    %squeeze3A_39 = vector.shape_cast %get3A_38 : vector<1x1x32xf32> to vector<1x32xf32>
    %add3A_40 = vector.broadcast %squeeze3A_39 : vector<1x32xf32> to vector<400x32xf32>
    %add3A_41 = arith.addf %mul3A_34, %add3A_40 : vector<400x32xf32>
    %get3A_42 = arith.constant 0 : index
    %get3A_43 = arith.constant 0 : index
    %get3A_44 = arith.constant 0 : index
    %get3A_45 = vector.load %arg7[%get3A_42, %get3A_43, %get3A_44] : memref<1x1x400xi32, #tpu.memory_space<vmem>>, vector<1x1x400xi32>
    %squeeze3A_46 = vector.shape_cast %get3A_45 : vector<1x1x400xi32> to vector<1x400xi32>
    %iota3A = tpu.iota {dimensions = array<i32: 0>} : vector<64x400xi32>
    %eq3A = vector.broadcast %squeeze3A_46 : vector<1x400xi32> to vector<64x400xi32>
    %eq3A_47 = arith.cmpi eq, %iota3A, %eq3A : vector<64x400xi32>
    %convert_element_type3A = arith.extui %eq3A_47 : vector<64x400xi1> to vector<64x400xi32>
    %convert_element_type3A_48 = arith.sitofp %convert_element_type3A : vector<64x400xi32> to vector<64x400xf32>
    %eq3A_49 = arith.constant 0 : i32
    %eq3A_50 = arith.cmpi eq, %arg1, %eq3A_49 : i32
    %convert_element_type3A_51 = arith.extui %eq3A_50 : i1 to i32
    %cond3A = arith.constant 0 : i32
    %cond3A_52 = arith.cmpi ne, %convert_element_type3A_51, %cond3A : i32
    scf.if %cond3A_52 {
      %broadcast_in_dim3A_63 = arith.constant 0.000000e+00 : f32
      %broadcast_in_dim3A_64 = vector.broadcast %broadcast_in_dim3A_63 : f32 to vector<1x64x32xf32>
      %swap3A_65 = arith.constant 0 : index
      %swap3A_66 = arith.constant 0 : index
      %swap3A_67 = arith.constant 0 : index
      %swap3A_68 = vector.load %arg8[%swap3A_65, %swap3A_66, %swap3A_67] : memref<1x64x32xf32, #tpu.memory_space<vmem>>, vector<1x64x32xf32>
      tpu.vector_store %arg8[%swap3A_65, %swap3A_66, %swap3A_67], %broadcast_in_dim3A_64 {strides = array<i32>} : memref<1x64x32xf32, #tpu.memory_space<vmem>>, vector<1x64x32xf32>,
    } else {
    }
    %get3A_53 = arith.constant 0 : index
    %get3A_54 = arith.constant 0 : index
    %get3A_55 = arith.constant 0 : index
    %get3A_56 = vector.load %arg8[%get3A_53, %get3A_54, %get3A_55] : memref<1x64x32xf32, #tpu.memory_space<vmem>>, vector<1x64x32xf32>
    %dot_general3A = arith.constant dense<0.000000e+00> : vector<64x32xf32>
    %dot_general3A_57 = tpu.matmul %convert_element_type3A_48, %add3A_41, %dot_general3A {dimension_numbers = #tpu.dot_dimension_numbers<[1], [0], [0], [1], [0, 0, 1, 1], [], []>, transpose_lhs_hint = false} : vector<64x400xf32>, vector<400x32xf32>, vector<64x32xf32> -> vector<64x32xf32>
    %broadcast_in_dim3A_58 = vector.shape_cast %dot_general3A_57 : vector<64x32xf32> to vector<1x64x32xf32>
    %add3A_59 = arith.addf %get3A_56, %broadcast_in_dim3A_58 : vector<1x64x32xf32>
    %swap3A = arith.constant 0 : index
    %swap3A_60 = arith.constant 0 : index
    %swap3A_61 = arith.constant 0 : index
    %swap3A_62 = vector.load %arg8[%swap3A, %swap3A_60, %swap3A_61] : memref<1x64x32xf32, #tpu.memory_space<vmem>>, vector<1x64x32xf32>
    tpu.vector_store %arg8[%swap3A, %swap3A_60, %swap3A_61], %add3A_59 {strides = array<i32>} : memref<1x64x32xf32, #tpu.memory_space<vmem>>, vector<1x64x32xf32>,
    return
  }
  func.func @transform_0(%arg0: i32, %arg1: i32) -> (i32, i32, i32) {
    %c0_i32 = arith.constant 0 : i32
    %c0_i32_0 = arith.constant 0 : i32
    return %arg0, %arg1, %c0_i32 : i32, i32, i32
  }
  func.func @transform_1(%arg0: i32, %arg1: i32) -> (i32, i32, i32) {
    %c0_i32 = arith.constant 0 : i32
    %c0_i32_0 = arith.constant 0 : i32
    %c0_i32_1 = arith.constant 0 : i32
    return %arg0, %c0_i32, %c0_i32_0 : i32, i32, i32
  }
  func.func @transform_2(%arg0: i32, %arg1: i32) -> (i32, i32, i32) {
    %c0_i32 = arith.constant 0 : i32
    %c0_i32_0 = arith.constant 0 : i32
    %c0_i32_1 = arith.constant 0 : i32
    return %arg0, %c0_i32, %c0_i32_0 : i32, i32, i32
  }
  func.func @transform_3(%arg0: i32, %arg1: i32) -> (i32, i32, i32) {
    %c0_i32 = arith.constant 0 : i32
    %c0_i32_0 = arith.constant 0 : i32
    %c0_i32_1 = arith.constant 0 : i32
    return %arg0, %c0_i32, %c0_i32_0 : i32, i32, i32
  }
  func.func @transform_4(%arg0: i32, %arg1: i32) -> (i32, i32, i32) {
    %c0_i32 = arith.constant 0 : i32
    %c0_i32_0 = arith.constant 0 : i32
    %c0_i32_1 = arith.constant 0 : i32
    return %arg0, %c0_i32, %c0_i32_0 : i32, i32, i32
  }
  func.func @transform_5(%arg0: i32, %arg1: i32) -> (i32, i32, i32) {
    %c0_i32 = arith.constant 0 : i32
    %c0_i32_0 = arith.constant 0 : i32
    %c0_i32_1 = arith.constant 0 : i32
    return %arg1, %c0_i32, %c0_i32_0 : i32, i32, i32
  }
  func.func @transform_6(%arg0: i32, %arg1: i32) -> (i32, i32, i32) {
    %c0_i32 = arith.constant 0 : i32
    %c0_i32_0 = arith.constant 0 : i32
    %c0_i32_1 = arith.constant 0 : i32
    return %arg0, %c0_i32, %c0_i32_0 : i32, i32, i32
  }
}

module attributes {stable_mosaic.version = 14 : i64} {
  func.func @body(%arg0: memref<64x64xf32, #tpu.memory_space<vmem>>, %arg1: memref<64x64xf32, #tpu.memory_space<vmem>>, %arg2: memref<1x64xf32, #tpu.memory_space<vmem>>, %arg3: memref<1x64xf32, #tpu.memory_space<vmem>>, %arg4: memref<1x64xf32, #tpu.memory_space<vmem>>, %arg5: memref<64x64xf32, #tpu.memory_space<vmem>>, %arg6: memref<1x64xf32, #tpu.memory_space<vmem>>, %arg7: memref<64x128xf32, #tpu.memory_space<vmem>>, %arg8: memref<1x128xf32, #tpu.memory_space<vmem>>, %arg9: memref<64x128xf32, #tpu.memory_space<vmem>>) attributes {dimension_semantics = [], scalar_prefetch = 0 : i64, scratch_operands = 0 : i64, tpu.core_type = #tpu.core_type<tc>} {
    %get3A = arith.constant 0 : index
    %get3A_0 = arith.constant 0 : index
    %get3A_1 = vector.load %arg0[%get3A, %get3A_0] : memref<64x64xf32, #tpu.memory_space<vmem>>, vector<64x64xf32>
    %get3A_2 = arith.constant 0 : index
    %get3A_3 = arith.constant 0 : index
    %get3A_4 = vector.load %arg1[%get3A_2, %get3A_3] : memref<64x64xf32, #tpu.memory_space<vmem>>, vector<64x64xf32>
    %dot_general3A = arith.constant dense<0.000000e+00> : vector<64x64xf32>
    %dot_general3A_5 = tpu.matmul %get3A_1, %get3A_4, %dot_general3A {dimension_numbers = #tpu.dot_dimension_numbers<[1], [0], [0], [1], [0, 0, 1, 1], [], []>, transpose_lhs_hint = false} : vector<64x64xf32>, vector<64x64xf32>, vector<64x64xf32> -> vector<64x64xf32>
    %get3A_6 = arith.constant 0 : index
    %get3A_7 = arith.constant 0 : index
    %get3A_8 = vector.load %arg2[%get3A_6, %get3A_7] : memref<1x64xf32, #tpu.memory_space<vmem>>, vector<1x64xf32>
    %add3A = vector.broadcast %get3A_8 : vector<1x64xf32> to vector<64x64xf32>
    %add3A_9 = arith.addf %dot_general3A_5, %add3A : vector<64x64xf32>
    %max3A = arith.constant 0.000000e+00 : f32
    %max3A_10 = vector.broadcast %max3A : f32 to vector<64x64xf32>
    %max3A_11 = arith.maximumf %add3A_9, %max3A_10 : vector<64x64xf32>
    %reduce_sum3A = arith.constant dense<0.000000e+00> : vector<64xf32>
    %reduce_sum3A_12 = vector.multi_reduction <add>, %max3A_11, %reduce_sum3A [0] : vector<64x64xf32> to vector<64xf32>
    %broadcast_in_dim3A = vector.shape_cast %reduce_sum3A_12 : vector<64xf32> to vector<1x64xf32>
    %div3A = arith.constant 6.400000e+01 : f32
    %div3A_13 = vector.broadcast %div3A : f32 to vector<1x64xf32>
    %div3A_14 = arith.divf %broadcast_in_dim3A, %div3A_13 : vector<1x64xf32>
    %mul3A = arith.mulf %max3A_11, %max3A_11 : vector<64x64xf32>
    %reduce_sum3A_15 = arith.constant dense<0.000000e+00> : vector<64xf32>
    %reduce_sum3A_16 = vector.multi_reduction <add>, %mul3A, %reduce_sum3A_15 [0] : vector<64x64xf32> to vector<64xf32>
    %broadcast_in_dim3A_17 = vector.shape_cast %reduce_sum3A_16 : vector<64xf32> to vector<1x64xf32>
    %div3A_18 = arith.constant 6.400000e+01 : f32
    %div3A_19 = vector.broadcast %div3A_18 : f32 to vector<1x64xf32>
    %div3A_20 = arith.divf %broadcast_in_dim3A_17, %div3A_19 : vector<1x64xf32>
    %mul3A_21 = arith.mulf %div3A_14, %div3A_14 : vector<1x64xf32>
    %sub3A = arith.subf %div3A_20, %mul3A_21 : vector<1x64xf32>
    %sub3A_22 = vector.broadcast %div3A_14 : vector<1x64xf32> to vector<64x64xf32>
    %sub3A_23 = arith.subf %max3A_11, %sub3A_22 : vector<64x64xf32>
    %add3A_24 = arith.constant 9.99999974E-6 : f32
    %add3A_25 = vector.broadcast %add3A_24 : f32 to vector<1x64xf32>
    %add3A_26 = arith.addf %sub3A, %add3A_25 : vector<1x64xf32>
    %rsqrt3A = math.rsqrt %add3A_26 : vector<1x64xf32>
    %mul3A_27 = vector.broadcast %rsqrt3A : vector<1x64xf32> to vector<64x64xf32>
    %mul3A_28 = arith.mulf %sub3A_23, %mul3A_27 : vector<64x64xf32>
    %get3A_29 = arith.constant 0 : index
    %get3A_30 = arith.constant 0 : index
    %get3A_31 = vector.load %arg3[%get3A_29, %get3A_30] : memref<1x64xf32, #tpu.memory_space<vmem>>, vector<1x64xf32>
    %mul3A_32 = vector.broadcast %get3A_31 : vector<1x64xf32> to vector<64x64xf32>
    %mul3A_33 = arith.mulf %mul3A_28, %mul3A_32 : vector<64x64xf32>
    %get3A_34 = arith.constant 0 : index
    %get3A_35 = arith.constant 0 : index
    %get3A_36 = vector.load %arg4[%get3A_34, %get3A_35] : memref<1x64xf32, #tpu.memory_space<vmem>>, vector<1x64xf32>
    %add3A_37 = vector.broadcast %get3A_36 : vector<1x64xf32> to vector<64x64xf32>
    %add3A_38 = arith.addf %mul3A_33, %add3A_37 : vector<64x64xf32>
    %get3A_39 = arith.constant 0 : index
    %get3A_40 = arith.constant 0 : index
    %get3A_41 = vector.load %arg5[%get3A_39, %get3A_40] : memref<64x64xf32, #tpu.memory_space<vmem>>, vector<64x64xf32>
    %dot_general3A_42 = arith.constant dense<0.000000e+00> : vector<64x64xf32>
    %dot_general3A_43 = tpu.matmul %add3A_38, %get3A_41, %dot_general3A_42 {dimension_numbers = #tpu.dot_dimension_numbers<[1], [0], [0], [1], [0, 0, 1, 1], [], []>, transpose_lhs_hint = false} : vector<64x64xf32>, vector<64x64xf32>, vector<64x64xf32> -> vector<64x64xf32>
    %get3A_44 = arith.constant 0 : index
    %get3A_45 = arith.constant 0 : index
    %get3A_46 = vector.load %arg6[%get3A_44, %get3A_45] : memref<1x64xf32, #tpu.memory_space<vmem>>, vector<1x64xf32>
    %add3A_47 = vector.broadcast %get3A_46 : vector<1x64xf32> to vector<64x64xf32>
    %add3A_48 = arith.addf %dot_general3A_43, %add3A_47 : vector<64x64xf32>
    %max3A_49 = arith.constant 0.000000e+00 : f32
    %max3A_50 = vector.broadcast %max3A_49 : f32 to vector<64x64xf32>
    %max3A_51 = arith.maximumf %add3A_48, %max3A_50 : vector<64x64xf32>
    %get3A_52 = arith.constant 0 : index
    %get3A_53 = arith.constant 0 : index
    %get3A_54 = vector.load %arg7[%get3A_52, %get3A_53] : memref<64x128xf32, #tpu.memory_space<vmem>>, vector<64x128xf32>
    %dot_general3A_55 = arith.constant dense<0.000000e+00> : vector<64x128xf32>
    %dot_general3A_56 = tpu.matmul %max3A_51, %get3A_54, %dot_general3A_55 {dimension_numbers = #tpu.dot_dimension_numbers<[1], [0], [0], [1], [0, 0, 1, 1], [], []>, transpose_lhs_hint = false} : vector<64x64xf32>, vector<64x128xf32>, vector<64x128xf32> -> vector<64x128xf32>
    %get3A_57 = arith.constant 0 : index
    %get3A_58 = arith.constant 0 : index
    %get3A_59 = vector.load %arg8[%get3A_57, %get3A_58] : memref<1x128xf32, #tpu.memory_space<vmem>>, vector<1x128xf32>
    %add3A_60 = vector.broadcast %get3A_59 : vector<1x128xf32> to vector<64x128xf32>
    %add3A_61 = arith.addf %dot_general3A_56, %add3A_60 : vector<64x128xf32>
    %reduce_max3A = arith.constant dense<0xFF800000> : vector<64xf32>
    %reduce_max3A_62 = vector.multi_reduction <maximumf>, %add3A_61, %reduce_max3A [1] : vector<64x128xf32> to vector<64xf32>
    %broadcast_in_dim3A_63 = vector.shape_cast %reduce_max3A_62 : vector<64xf32> to vector<64x1xf32>
    %sub3A_64 = vector.broadcast %broadcast_in_dim3A_63 : vector<64x1xf32> to vector<64x128xf32>
    %sub3A_65 = arith.subf %add3A_61, %sub3A_64 : vector<64x128xf32>
    %exp3A = math.exp %sub3A_65 : vector<64x128xf32>
    %reduce_sum3A_66 = arith.constant dense<0.000000e+00> : vector<64xf32>
    %reduce_sum3A_67 = vector.multi_reduction <add>, %exp3A, %reduce_sum3A_66 [1] : vector<64x128xf32> to vector<64xf32>
    %broadcast_in_dim3A_68 = vector.shape_cast %reduce_sum3A_67 : vector<64xf32> to vector<64x1xf32>
    %log3A = math.log %broadcast_in_dim3A_68 : vector<64x1xf32>
    %add3A_69 = arith.addf %broadcast_in_dim3A_63, %log3A : vector<64x1xf32>
    %sub3A_70 = vector.broadcast %add3A_69 : vector<64x1xf32> to vector<64x128xf32>
    %sub3A_71 = arith.subf %add3A_61, %sub3A_70 : vector<64x128xf32>
    %swap3A = arith.constant 0 : index
    %swap3A_72 = arith.constant 0 : index
    %swap3A_73 = vector.load %arg9[%swap3A, %swap3A_72] : memref<64x128xf32, #tpu.memory_space<vmem>>, vector<64x128xf32>
    tpu.vector_store %arg9[%swap3A, %swap3A_72], %sub3A_71 {strides = array<i32>} : memref<64x128xf32, #tpu.memory_space<vmem>>, vector<64x128xf32>,
    return
  }
}

</mosaic_0001>

<sc_bundles>
// kernel: kernel.11.cloned.1.call-start
scs
__scs_entry_jumppad:
0x0: {  	(pc) =	sbr.rel $0x88, $3  }
0x1: {  	(tag) =	ssettag $0x0;
	lr =	simm.s32 $0x1  }
0x2: {  	[smem:$0x3F8E] =	sst lr;
	_ =	strace $0xD0000000  }
0x3: {  	_ = 	snop  }
0x4: {  	_ = 	snop  }
0x5: {  	_ = 	snop  }
0x6: {  	_ = 	snop  }
0x7: {  	_ = 	snop  }
__scs_overlays_trampoline_lowered:
0x8: {  	[smem:$0x3F9D] =	sst s0  }
0x9: {  	[smem:$0x3F9E] =	sst s1  }
0xa: {  	[smem:$0x3F9F] =	sst s2  }
0xb: {  	[smem:$0x3FA0] =	sst s3  }
0xc: {  	[smem:$0x3FA1] =	sst s4  }
0xd: {  	[smem:$0x3FA2] =	sst s5  }
0xe: {  	[smem:$0x3FA3] =	sst s6  }
0xf: {  	[smem:$0x3FA4] =	sst s7  }
0x10: {  	[smem:$0x3FA5] =	sst s8  }
0x11: {  	[smem:$0x3FA6] =	sst s9;
	s0 =	simm.s32 @!p0 $0x0  }
0x12: {  	s1 =	sld [smem:$0x3F8C];
	s0 =	simm.s32 @p0 $0x1  }
0x13: {  	[smem:$0x3FA7] =	sst s0;
	s0 =	simm.s32 @!p1 $0x0  }
0x14: {  	s2 =	sld [smem:$0x3F8B];
	s0 =	simm.s32 @p1 $0x1  }
0x15: {  	[smem:$0x3FA8] =	sst s0;
	s0 =	simm.s32 @!p2 $0x0  }
0x16: {  	s3 =	sld [smem:$0x3FDB];
	s0 =	simm.s32 @p2 $0x1  }
0x17: {  	s4 =	simm.s32 $0x1BF5;
	[smem:$0x3FAA] =	sst s0  }
0x18: {  	s0 =	sld [smem:$0x3F8D];
	_ =	swait.ge [sflag:s4], $0x0  }
0x19: {  	s7 =	sld [smem:$0x3F8E]  }
0x1a: {  	s8 =	sadd.s32 $0xFFFFE003, lr  }
0x1b: {  	s9 =	sadd.s32 $0xFFFFFEF7, lr;
	s5 =	simm.s32 $0xFFFFFFFF;
	p2 =	slt.u32 s8, $0xFFFFF086  }
0x1c: {  	p1 =	slt.u32 s9, $0xF7A;
	s5 =	simm.s32 @!p2 $0x0  }
0x1d: {  	s5 =	simm.s32 @p1 $0x1;
	p0 =	seq.s32 s7, s2  }
0x1e: {  	s7 =	smul.u32 @!p0 $0xF7A, s2;
	p2 =	seq.s32 @!p0 s5, $0x0  }
0x1f: {  	s9 =	smul.u32 $0xF7A, s1;
	s8 =	simm.s32 @!p0 $0x1BF5;
	p2 =	por !p2, p0  }
0x20: {  	[sflag:s8] =	ssyncset.s32 @!p0 $0xFFFFF086;
	s6 =	sadd.s32 @!p0 s3, s7;
	s7 =	simm.s32 @!p0 $0x108  }
0x21: {  	s3 =	sadd.s32 s3, s9;
	s6 =	sadd.s32 @!p0 $0x88, s6;
	s7 =	simm.s32 @p2 $0x1082  }
0x22: {  	[simem:s7], [sflag:s8] =	dma.local @!p0 [hbm:s6], $0xF7A  }
0x23: {  	s9 =	sor.u32 $0xD0000000, s2;
	s6 =	simm.s32 $0x108;
	_ =	swait.ge @!p0 [sflag:s8], $0x0  }
0x24: {  	s3 =	sadd.s32 $0x88, s3;
	s6 =	simm.s32 @!p1 $0x1082;
	[sflag:s4] =	ssyncset.s32 $0xFFFFF086  }
0x25: {  	[simem:s6], [sflag:s4] =	dma.local [hbm:s3], $0xF7A  }
0x26: {  	[smem:$0x3F8E] =	sst s1;
	(tag) =	ssettag s2;
	_ =	strace s9  }
0x27: {  	s1 =	sld [smem:$0x3F9E]  }
0x28: {  	s2 =	sld [smem:$0x3F9F]  }
0x29: {  	s4 =	sld [smem:$0x3FA1]  }
0x2a: {  	p0 =	seq.s32 s5, $0x0;
	s5 =	sld [smem:$0x3FA2]  }
0x2b: {  	s6 =	sld [smem:$0x3FA3]  }
0x2c: {  	s7 =	sld [smem:$0x3FA4]  }
0x2d: {  	s3 =	simm.s32 $0x108;
	s8 =	sld [smem:$0x3FA5]  }
0x2e: {  	s3 =	simm.s32 @!p0 $0x1082;
	s9 =	sld [smem:$0x3FA6]  }
0x2f: {  	lr =	sadd.s32 s0, s3;
	s0 =	sld [smem:$0x3F9D]  }
0x30: {  	s3 =	sld [smem:$0x3FA0]  }
0x31: {  	[smem:$0x3FA9] =	sst s10  }
0x32: {  	s10 =	sld [smem:$0x3FA7];
	_ =	sdelay $0x3  }
0x33: {  	p0 =	seq.s32 s10, $0x1;
	s10 =	sld [smem:$0x3FA9];
	_ =	sdelay $0x3  }
0x34: {  	[smem:$0x3FA9] =	sst s10  }
0x35: {  	s10 =	sld [smem:$0x3FA8];
	_ =	sdelay $0x3  }
0x36: {  	p1 =	seq.s32 s10, $0x1;
	s10 =	sld [smem:$0x3FA9];
	_ =	sdelay $0x3  }
0x37: {  	[smem:$0x3FA9] =	sst s10  }
0x38: {  	s10 =	sld [smem:$0x3FAA]  }
0x39: {  	_ = 	snop;
	(pc) =	sbr.ind lr, $3  }
0x3a: {  	_ = 	snop  }
0x3b: {  	_ = 	snop  }
0x3c: {  	p2 =	seq.s32 s10, $0x1;
	s10 =	sld [smem:$0x3FA9]  }
0x3d: {  	_ =	shalt  }
0x3e: {  	_ =	shalt  }
0x3f: {  	_ =	shalt  }
0x40: {  	_ =	shalt  }
0x41: {  	_ =	shalt  }
0x42: {  	_ =	shalt  }
0x43: {  	_ =	shalt  }
0x44: {  	_ =	shalt  }
0x45: {  	_ =	shalt  }
0x46: {  	_ =	shalt  }
0x47: {  	_ =	shalt  }
0x48: {  	_ =	shalt  }
0x49: {  	_ =	shalt  }
0x4a: {  	_ =	shalt  }
0x4b: {  	_ =	shalt  }
0x4c: {  	_ =	shalt  }
0x4d: {  	_ =	shalt  }
0x4e: {  	_ =	shalt  }
0x4f: {  	_ =	shalt  }
0x50: {  	_ =	shalt  }
0x51: {  	_ =	shalt  }
0x52: {  	_ =	shalt  }
0x53: {  	_ =	shalt  }
0x54: {  	_ =	shalt  }
0x55: {  	_ =	shalt  }
0x56: {  	_ =	shalt  }
0x57: {  	_ =	shalt  }
0x58: {  	_ =	shalt  }
0x59: {  	_ =	shalt  }
0x5a: {  	_ =	shalt  }
0x5b: {  	_ =	shalt  }
0x5c: {  	_ =	shalt  }
0x5d: {  	_ =	shalt  }
0x5e: {  	_ =	shalt  }
0x5f: {  	_ =	shalt  }
0x60: {  	_ =	shalt  }
0x61: {  	_ =	shalt  }
0x62: {  	_ =	shalt  }
0x63: {  	_ =	shalt  }
0x64: {  	_ =	shalt  }
0x65: {  	_ =	shalt  }
0x66: {  	_ =	shalt  }
0x67: {  	_ =	shalt  }
0x68: {  	_ =	shalt  }
0x69: {  	_ =	shalt  }
0x6a: {  	_ =	shalt  }
0x6b: {  	_ =	shalt  }
0x6c: {  	_ =	shalt  }
0x6d: {  	_ =	shalt  }
0x6e: {  	_ =	shalt  }
0x6f: {  	_ =	shalt  }
0x70: {  	_ =	shalt  }
0x71: {  	_ =	shalt  }
0x72: {  	_ =	shalt  }
0x73: {  	_ =	shalt  }
0x74: {  	_ =	shalt  }
0x75: {  	_ =	shalt  }
0x76: {  	_ =	shalt  }
0x77: {  	_ =	shalt  }
0x78: {  	_ =	shalt  }
0x79: {  	_ =	shalt  }
0x7a: {  	_ =	shalt  }
0x7b: {  	_ =	shalt  }
0x7c: {  	_ =	shalt  }
0x7d: {  	_ =	shalt  }
0x7e: {  	_ =	shalt  }
0x7f: {  	_ =	shalt  }
0x80: {  	_ =	shalt  }
0x81: {  	_ =	shalt  }
0x82: {  	_ =	shalt  }
0x83: {  	_ =	shalt  }
0x84: {  	_ =	shalt  }
0x85: {  	_ =	shalt  }
0x86: {  	_ =	shalt  }
0x87: {  	_ =	shalt  }
.Lfunc_end0:
.L_simem_size_0:
called_computation_lowered:
.L_overlay_start_0:
0x88: {  	s2 =	sld [smem:$0x3FD9]  }
0x89: {  	s3 =	sld [smem:$0x3FFE];
	_ =	sdelay $0x1  }
0x8a: {  	s1 =	srdreg.scid  }
0x8b: {  	s0 =	sand.u32 $0x1, s1  }
0x8c: {  	s16 =	sshll.u32 s0, $0xA;
	s2 =	sadd.s32 s3, s2  }
0x8d: {  	s2 =	sadd.s32 s2, s16  }
0x8e: {  	[smem:$0x3FB5] =	sst s2  }
0x8f: {  	_ = 	snop  }
0x90: {  	(tm) =	ssettm $0x1  }
0x91: {  	s17 =	sld [smem:$0x3FFB];
	_ =	sdelay $0x3  }
0x92: {  	_ =	strace s17  }
0x93: {  	s2 =	sld [smem:$0x3FFC];
	_ =	sdelay $0x3  }
0x94: {  	_ =	strace s2  }
0x95: {  	s2 =	sld [smem:$0x3FFD];
	_ =	sdelay $0x3  }
0x96: {  	_ =	strace s2  }
0x97: {  	_ =	strace $0x8FFFFFFF  }
0x98: {  	s18 =	sld [smem:$0x3FDB];
	_ =	sdelay $0x1  }
0x99: {  	s19 =	simm.s32 $_scs_section_size  }
0x9a: {  	s4 =	simm.s32 $_size__tile_overlayer_lowered;
	s5 =	simm.s32 $_tile_overlayer_lowered  }
0x9b: {  	s22 =	simm.s32 $0x1BFF;
	s21 =	sshll.u32 s5, $0x1;
	s2 =	sadd.s32 s19, s18  }
0x9c: {  	s6 =	simm.s32 $0x0;
	s20 =	sshll.u32 s4, $0x1;
	s4 =	sadd.s32 s21, s2  }
0x9d: {  	[timem:s6], [sflag:s22] =	dma.local [hbm:s4], s20  }
0x9e: {  	_ =	swait.ge [sflag:s22], s20  }
0x9f: {  	s3 =	ssub.s32 $0x0, s20;
	[sflag:s22] =	ssyncset.done $0x0  }
0xa0: {  	[sflag:s22] =	ssyncadd.s32 s3;
	_ =	sdelay $0x1  }
0xa1: {  	s23 =	simm.s32 $0x1B8B  }
0xa2: {  	_ =	swait.ge [sflag:s23], $0x1  }
0xa3: {  	[sflag:s23] =	ssyncset.done $0x0  }
0xa4: {  	s25 =	simm.s32 $0x1B8E;
	s24 =	sld [smem:$0x3FFE];
	[sflag:s23] =	ssyncadd.s32 $0xFFFFFFFF  }
0xa5: {  	s26 =	simm.s32 $execute0_lowered;
	[smem:$0x3FD2] =	sst s25  }
0xa6: {  	s4 =	sshll.u32 s26, $0x1;
	_ =	strace $0x80000046;
	[dreg:$0x1] =	wrdreg $0xFFFFFFFF  }
0xa7: {  	s28 =	simm.s32 $_size_execute0_lowered;
	s2 =	sadd.s32 s2, s4;
	[dreg:$0x0] =	wrdreg $0x0  }
0xa8: {  	s4 =	sshll.u32 s28, $0x1;
	[dreg:$0x2] =	wrdreg s2  }
0xa9: {  	[dreg:$0x3] =	wrdreg s4  }
0xaa: {  	[dreg:$0x4] =	wrdreg $0xC0  }
0xab: {  	_ =	task [dreg:s6], $0x5FFFF  }
0xac: {  	[dreg:$0x1] =	wrdreg $0xFFFFFFFF  }
0xad: {  	[dreg:$0x0] =	wrdreg $0x60  }
0xae: {  	[dreg:$0x2] =	wrdreg s24  }
0xaf: {  	[dreg:$0x3] =	wrdreg $0x0  }
0xb0: {  	[dreg:$0x4] =	wrdreg $0x9  }
0xb1: {  	_ =	task.clear_ibuf [dreg:s6], $0x5FFFF;
	_ =	strace $0x90000046  }
0xb2: {  	s29 =	simm.s32 $0x9;
	_ =	strace $0x80000048  }
0xb3: {  	_ =	swait.ge [sflag:s29], $0x1  }
0xb4: {  	[sflag:s29] =	ssyncadd.s32 $0xFFFFFFFF  }
0xb5: {  	_ =	strace $0x90000048  }
0xb6: {  	_ =	sfence  }
0xb7: {  	s30 =	sld [smem:$0x0];
	_ =	sdelay $0x2  }
0xb8: {  	s31 =	sshll.u32 s1, $0xD;
	s1 =	sshrl.u32 s1, $0x2  }
0xb9: {  	s3 =	sand.u32 $0x4000, s31;
	s1 =	sadd.s32 s1, s30  }
0xba: {  	s0 =	sor.u32 s3, s0;
	s1 =	sshll.u32 s1, $0x11  }
0xbb: {  	s0 =	sor.u32 s1, s0  }
0xbc: {  	s0 =	sadd.s32 $0x8F2B, s0  }
0xbd: {  	[sflag:s0] =	ssyncadd.remote.s32 $0x1  }
0xbe: {  	_ =	sfence.sel $0xFFFF  }
0xbf: {  	[dreg:$0x0] =	wrdreg $0xFFFFFFFF;
	(pc) =	sbr.abs _section_cstart, $3  }
0xc0: {  	[dreg:$0x1] =	wrdreg $0xFFFFFFFF  }
0xc1: {  	_ =	task.clear_ibuf [dreg:s6], $0x2FFFF;
	_ =	strace $0x9FFFFFFF  }
0xc2: {  	(tm) =	ssettm $0x7FFFFFFF  }
0xc3: {  	_ =	shalt  }
tec
execute0_lowered:
.L_overlay_start_1:
0x0: {  	(tag) =	ssettag $0x1  }
0x1: {  	s4 =	rddreg [dreg:$0x0];
	s0 =	srdreg.scid  }
0x2: {  	s2 =	rddreg [dreg:$0x1];
	s1 =	stileid.u32  }
0x3: {  	s3 =	simm.s32 $0x0;
	s16 =	simm.s32 $0x1;
	s7 =	smul.u32 $0xC380, s1  }
0x4: {  	s5 =	sand.u32 $0x1, s0;
	s0 =	rddreg [dreg:$0x2];
	s9 =	smul.u32 $0x30E00, s1  }
0x5: {  	[smem:$0x7FF] =	sst s3;
	s15 =	sshll.u32 s1, $0x4;
	s6 =	smul.u32 $0xC3800, s5  }
0x6: {  	s17 =	sshll.u32 s1, $0x6;
	s8 =	smul.u32 $0xC350, s5;
	s5 =	ssub.s32 $0x2, s5  }
0x7: {  	_ =	strace $0x80000047;
	s17 =	sor.u32 $0x1C01, s17;
	s30 =	sshrl.u32 s5, $0x1  }
0x8: {  	s31 =	sshrl.u32 s9, $0x2;
	s18 =	sadd.s32 s7, s2;
	s6 =	sadd.s32 s7, s6  }
0x9: {  	s14 =	sadd.s32 s8, s4;
	s5 =	ssub.s32 s5, s30;
	s18 =	sshrl.u32 s18, $0x3  }
0xa: {  	s6 =	sshrl.u32 s6, $0x3;
	s5 =	smax.u32 s5, $0x1;
	s14 =	sadd.s32 s15, s14  }
0xb: {  	s15 =	simm.s32 $0xCC00;
	s4 =	sadd.s32 s6, s4;
	s6 =	sadd.s32 s31, s2  }
0xc: {  	s14 =	sadd.s32 $0x3200, s14;
	s4 =	sadd.s32 $0x34200, s4;
	s7 =	sadd.s32 $0x1870, s6  }
0xd: {  	v0 =	vimm.f32 $0.0e+00;
	vm0 =	vcmask $0x300;
	s8 =	sadd.s32 $0x30E0, s6;
	s9 =	sadd.s32 $0x4950, s6;
	s10 =	sadd.s32 $0x61C0, s6  }
0xe: {  	v1 =	vsel vm0, $0x3F800000, v0;
	s11 =	sadd.s32 $0x7A30, s6;
	s12 =	sadd.s32 $0x92A0, s6;
	s13 =	sadd.s32 $0xAB10, s6  }
.LBB2_1:
0xf: {  	s19 =	simm.s32 $0x0  }
.LBB2_2:
0x10: {  	p0 =	sne.s32 s19, $0x1FC0  }
.Ltmp0:
0x11: {  	_ = 	snop;
	(pc) =	sbr.rel @p0 .LBB2_2-.Ltmp0, $3  }
0x12: {  	_ =	sdelay $0x1  }
0x13: {  	s20 =	sshra.s32 s19, $0x2  }
0x14: {  	s19 =	sadd.s32 $0x40, s19;
	[tilespmem:s20+$0xC400] =	vst v1  }
0x15: {  	s19 =	simm.s32 $0x40;
	s20 =	simm.s32 $0x0  }
.LBB2_4:
0x16: {  	p0 =	sne.s32 s19, $0x6180;
	[tilespmem:s20+$0xCC00] =	vst v0;
	s20 =	smov.u32 s19;
	s19 =	sadd.s32 $0x40, s19  }
.Ltmp1:
0x17: {  	(pc) =	sbr.rel @p0 .LBB2_4-.Ltmp1, $2  }
0x18: {  	_ =	sdelay $0x2  }
0x19: {  	s20 =	sshra.s32 s20, $0x2  }
0x1a: {  	[tilespmem:s20+$0xCC00] =	vst v0  }
0x1b: {  	[spmem:s6] =	stream.linear.scatter [tilespmem:s15], [sflag:$0x1], $0x1870, $0x38;
	[tilespmem:$0xE470] =	vst v63  }
0x1c: {  	_ =	swait.ge [sflag:s16], $0x1870  }
0x1d: {  	[sflag:s16] =	ssyncset.done $0x0  }
0x1e: {  	[sflag:s16] =	ssyncadd.s32 $0xFFFFE790  }
0x1f: {  	[spmem:s7] =	stream.linear.scatter [tilespmem:s15], [sflag:$0x1], $0x1870, $0x38;
	[tilespmem:$0xE470] =	vst v63  }
0x20: {  	_ =	swait.ge [sflag:s16], $0x1870  }
0x21: {  	[sflag:s16] =	ssyncset.done $0x0  }
0x22: {  	[sflag:s16] =	ssyncadd.s32 $0xFFFFE790  }
0x23: {  	[spmem:s8] =	stream.linear.scatter [tilespmem:s15], [sflag:$0x1], $0x1870, $0x38;
	[tilespmem:$0xE470] =	vst v63  }
0x24: {  	_ =	swait.ge [sflag:s16], $0x1870  }
0x25: {  	[sflag:s16] =	ssyncset.done $0x0  }
0x26: {  	[sflag:s16] =	ssyncadd.s32 $0xFFFFE790  }
0x27: {  	[spmem:s9] =	stream.linear.scatter [tilespmem:s15], [sflag:$0x1], $0x1870, $0x38;
	[tilespmem:$0xE470] =	vst v63  }
0x28: {  	_ =	swait.ge [sflag:s16], $0x1870  }
0x29: {  	[sflag:s16] =	ssyncset.done $0x0  }
0x2a: {  	[sflag:s16] =	ssyncadd.s32 $0xFFFFE790  }
0x2b: {  	[spmem:s10] =	stream.linear.scatter [tilespmem:s15], [sflag:$0x1], $0x1870, $0x38;
	[tilespmem:$0xE470] =	vst v63  }
0x2c: {  	_ =	swait.ge [sflag:s16], $0x1870  }
0x2d: {  	[sflag:s16] =	ssyncset.done $0x0  }
0x2e: {  	[sflag:s16] =	ssyncadd.s32 $0xFFFFE790  }
0x2f: {  	[spmem:s11] =	stream.linear.scatter [tilespmem:s15], [sflag:$0x1], $0x1870, $0x38;
	[tilespmem:$0xE470] =	vst v63  }
0x30: {  	_ =	swait.ge [sflag:s16], $0x1870  }
0x31: {  	[sflag:s16] =	ssyncset.done $0x0  }
0x32: {  	[sflag:s16] =	ssyncadd.s32 $0xFFFFE790  }
0x33: {  	[spmem:s12] =	stream.linear.scatter [tilespmem:s15], [sflag:$0x1], $0x1870, $0x38;
	[tilespmem:$0xE470] =	vst v63  }
0x34: {  	_ =	swait.ge [sflag:s16], $0x1870  }
0x35: {  	[sflag:s16] =	ssyncset.done $0x0  }
0x36: {  	[sflag:s16] =	ssyncadd.s32 $0xFFFFE790  }
0x37: {  	[spmem:s13] =	stream.linear.scatter [tilespmem:s15], [sflag:$0x1], $0x1870, $0x38;
	[tilespmem:$0xE470] =	vst v63  }
0x38: {  	s19 =	sadd.s32 $0x0, s1;
	_ =	swait.ge [sflag:s16], $0x1870  }
0x39: {  	p1 =	sgt.u32 s19, $0xC34;
	[sflag:s16] =	ssyncset.done $0x0  }
0x3a: {  	p0 =	por p1, p1;
	s19 =	simm.s32 @!p1 $0x0;
	[sflag:s16] =	ssyncadd.s32 $0xFFFFE790  }
0x3b: {  	s20 =	simm.s32 @!p1 $0xC380;
	s21 =	simm.s32 @!p0 $0x2;
	[bflag:$0x0] =	sbarrier.arrive $0xFFFF  }
0x3c: {  	[tilespmem:s20], [sflag:$0x2] =	stream.linear.gather @!p0 [hbm4b:s14+s19], $0x80, $0x38;
	[tilespmem:$0xE470] =	vst v63  }
0x3d: {  	_ =	swait.ge @!p0 [sflag:s21], $0x80  }
0x3e: {  	s31 =	sadd.s32 $0x10, s1;
	[sflag:s21] =	ssyncset.done @!p0 $0x0  }
0x3f: {  	s19 =	simm.s32 @!p0 $0x80;
	[sflag:s21] =	ssyncadd.s32 @!p0 $0xFFFFFF80;
	s21 =	simm.s32 @!p0 $0xC400  }
0x40: {  	[spmem:s2] =	stream.indirect.scatter.add.f32 @!p0 [tilespmem:s21], [sflag:$0x1], $0x10, s20, s19, $0xb8;
	[tilespmem:$0xE470] =	vst v63  }
0x41: {  	p1 =	sgt.u32 s31, $0xC34;
	s21 =	simm.s32 @!p0 $0x1  }
0x42: {  	s20 =	simm.s32 $0x20;
	s19 =	sadd.s32 $0x100, s14;
	_ =	swait.ge @!p0 [sflag:s21], $0x800  }
.LBB2_6:
0x43: {  	s22 =	simm.s32 @!p1 $0x0  }
0x44: {  	s23 =	simm.s32 @!p1 $0xC380;
	[sflag:s21] =	ssyncset.done @!p0 $0x0;
	s24 =	smov.u32 s20  }
0x45: {  	p2 =	por p0, p0;
	p0 =	por p1, p1;
	s20 =	sadd.s32 $0x10, s20  }
0x46: {  	s25 =	simm.s32 @!p0 $0x2;
	[sflag:s21] =	ssyncadd.s32 @!p2 $0xFFFFF800;
	p2 =	sne.s32 s20, $0xC40  }
0x47: {  	[tilespmem:s23], [sflag:$0x2] =	stream.linear.gather @!p0 [hbm4b:s19+s22], $0x80, $0x38;
	[tilespmem:$0xE470] =	vst v63  }
.Ltmp2:
0x48: {  	_ =	swait.ge @!p0 [sflag:s25], $0x80;
	(pc) =	sbr.rel @p2 .LBB2_6-.Ltmp2, $4  }
0x49: {  	s21 =	simm.s32 @!p0 $0x1;
	s22 =	sadd.s32 s24, s1;
	[sflag:s25] =	ssyncset.done @!p0 $0x0  }
0x4a: {  	s24 =	simm.s32 @!p0 $0x80;
	[sflag:s25] =	ssyncadd.s32 @!p0 $0xFFFFFF80;
	s25 =	simm.s32 @!p0 $0xC400  }
0x4b: {  	[spmem:s2] =	stream.indirect.scatter.add.f32 @!p0 [tilespmem:s25], [sflag:$0x1], $0x10, s23, s24, $0xb8;
	[tilespmem:$0xE470] =	vst v63  }
0x4c: {  	s19 =	sadd.s32 $0x100, s19;
	p1 =	sgt.u32 s22, $0xC34;
	_ =	swait.ge @!p0 [sflag:s21], $0x800  }
0x4d: {  	s20 =	simm.s32 @!p1 $0x0  }
0x4e: {  	[sflag:s21] =	ssyncset.done @!p0 $0x0;
	p0 =	por p0, p0;
	p2 =	por p1, p1  }
0x4f: {  	s22 =	simm.s32 @!p1 $0xC380;
	s23 =	simm.s32 @!p2 $0x2;
	[sflag:s21] =	ssyncadd.s32 @!p0 $0xFFFFF800  }
0x50: {  	[tilespmem:s22], [sflag:$0x2] =	stream.linear.gather @!p2 [hbm4b:s19+s20], $0x80, $0x38;
	[tilespmem:$0xE470] =	vst v63  }
0x51: {  	_ =	swait.ge @!p2 [sflag:s23], $0x80  }
0x52: {  	s21 =	simm.s32 @!p2 $0xC400;
	[sflag:s23] =	ssyncset.done @!p2 $0x0  }
0x53: {  	s19 =	simm.s32 @!p2 $0x1;
	s20 =	simm.s32 @!p2 $0x80;
	[sflag:s23] =	ssyncadd.s32 @!p2 $0xFFFFFF80  }
0x54: {  	[spmem:s2] =	stream.indirect.scatter.add.f32 @!p2 [tilespmem:s21], [sflag:$0x1], $0x10, s22, s20, $0xb8;
	[tilespmem:$0xE470] =	vst v63  }
0x55: {  	_ =	swait.ge @!p2 [sflag:s19], $0x800  }
0x56: {  	s3 =	sadd.s32 $0x1, s3;
	p0 =	por p2, p2;
	[sflag:s19] =	ssyncset.done @!p2 $0x0  }
0x57: {  	[sflag:s19] =	ssyncadd.s32 @!p0 $0xFFFFF800;
	p0 =	sne.s32 s3, s5  }
.Ltmp3:
0x58: {  	[bflag:$0x0] =	sbarrier.arrive $0xFFFF;
	(pc) =	sbr.rel @p0 .LBB2_1-.Ltmp3, $4  }
0x59: {  	[hbm:s4], [sflag:s17] =	dma.local [spmem:s18], $0x1870  }
0x5a: {  	_ =	swait.ge [sflag:s16], $0x1870  }
0x5b: {  	[sflag:s16] =	ssyncset.done $0x0  }
0x5c: {  	[sflag:s16] =	ssyncadd.s32 $0xFFFFE790  }
0x5d: {  	_ =	sfence.sel $0x180000  }
0x5e: {  	[bflag:$0x0] =	sbarrier.arrive $0xFFFF  }
0x5f: {  	p0 =	sne.s32 s1, $0x0;
	_ =	strace $0x90000047  }
0x60: {  	s0 =	sadd.s32 @!p0 $0x100000, s0;
	[bflag:$0x2] =	sbarrier.arrive $0xFFFF  }
0x61: {  	[sflag:s0] =	ssyncadd.tile.s32 @!p0 $0x1;
	_ =	shalt  }
.Lfunc_end2:
_tile_overlayer_lowered:
.L_overlay_start_2:
0x62: {  	(tag) =	ssettag $0x2  }
0x63: {  	s0 =	rddreg [dreg:$0x0];
	s2 =	stileid.u32  }
0x64: {  	s1 =	rddreg [dreg:$0x1];
	p0 =	sne.s32 s2, $0x0  }
0x65: {  	s3 =	rddreg [dreg:$0x2];
	[bflag:$0x3] =	sbarrier.arrive $0xFFFF;
	s2 =	simm.s32 @!p0 $0x1C01  }
0x66: {  	[timem:s3], [sflag:s2] =	dma.local @!p0 [hbm:s0], s1  }
0x67: {  	s0 =	simm.s32 @!p0 $0x1  }
0x68: {  	_ =	swait.ge @!p0 [sflag:s0], s1  }
0x69: {  	s1 =	ssub.s32 @!p0 $0x0, s1;
	[sflag:s0] =	ssyncset.done @!p0 $0x0  }
0x6a: {  	[sflag:s0] =	ssyncadd.s32 @!p0 s1  }
0x6b: {  	[bflag:$0x3] =	sbarrier.arrive $0xFFFF  }
0x6c: {  	_ =	shalt  }

// kernel: kernel.14.cloned.1.call-start
scs
__scs_entry_jumppad:
0x0: {  	(pc) =	sbr.rel $0x88, $3  }
0x1: {  	(tag) =	ssettag $0x0;
	lr =	simm.s32 $0x1  }
0x2: {  	[smem:$0x3F8E] =	sst lr;
	_ =	strace $0xD0000000  }
0x3: {  	_ = 	snop  }
0x4: {  	_ = 	snop  }
0x5: {  	_ = 	snop  }
0x6: {  	_ = 	snop  }
0x7: {  	_ = 	snop  }
__scs_overlays_trampoline_lowered:
0x8: {  	[smem:$0x3F9D] =	sst s0  }
0x9: {  	[smem:$0x3F9E] =	sst s1  }
0xa: {  	[smem:$0x3F9F] =	sst s2  }
0xb: {  	[smem:$0x3FA0] =	sst s3  }
0xc: {  	[smem:$0x3FA1] =	sst s4  }
0xd: {  	[smem:$0x3FA2] =	sst s5  }
0xe: {  	[smem:$0x3FA3] =	sst s6  }
0xf: {  	[smem:$0x3FA4] =	sst s7  }
0x10: {  	[smem:$0x3FA5] =	sst s8  }
0x11: {  	[smem:$0x3FA6] =	sst s9;
	s0 =	simm.s32 @!p0 $0x0  }
0x12: {  	s1 =	sld [smem:$0x3F8C];
	s0 =	simm.s32 @p0 $0x1  }
0x13: {  	[smem:$0x3FA7] =	sst s0;
	s0 =	simm.s32 @!p1 $0x0  }
0x14: {  	s2 =	sld [smem:$0x3F8B];
	s0 =	simm.s32 @p1 $0x1  }
0x15: {  	[smem:$0x3FA8] =	sst s0;
	s0 =	simm.s32 @!p2 $0x0  }
0x16: {  	s3 =	sld [smem:$0x3FDB];
	s0 =	simm.s32 @p2 $0x1  }
0x17: {  	s4 =	simm.s32 $0x1BF5;
	[smem:$0x3FAA] =	sst s0  }
0x18: {  	s0 =	sld [smem:$0x3F8D];
	_ =	swait.ge [sflag:s4], $0x0  }
0x19: {  	s7 =	sld [smem:$0x3F8E]  }
0x1a: {  	s8 =	sadd.s32 $0xFFFFE003, lr  }
0x1b: {  	s9 =	sadd.s32 $0xFFFFFEF7, lr;
	s5 =	simm.s32 $0xFFFFFFFF;
	p2 =	slt.u32 s8, $0xFFFFF086  }
0x1c: {  	p1 =	slt.u32 s9, $0xF7A;
	s5 =	simm.s32 @!p2 $0x0  }
0x1d: {  	s5 =	simm.s32 @p1 $0x1;
	p0 =	seq.s32 s7, s2  }
0x1e: {  	s7 =	smul.u32 @!p0 $0xF7A, s2;
	p2 =	seq.s32 @!p0 s5, $0x0  }
0x1f: {  	s9 =	smul.u32 $0xF7A, s1;
	s8 =	simm.s32 @!p0 $0x1BF5;
	p2 =	por !p2, p0  }
0x20: {  	[sflag:s8] =	ssyncset.s32 @!p0 $0xFFFFF086;
	s6 =	sadd.s32 @!p0 s3, s7;
	s7 =	simm.s32 @!p0 $0x108  }
0x21: {  	s3 =	sadd.s32 s3, s9;
	s6 =	sadd.s32 @!p0 $0x88, s6;
	s7 =	simm.s32 @p2 $0x1082  }
0x22: {  	[simem:s7], [sflag:s8] =	dma.local @!p0 [hbm:s6], $0xF7A  }
0x23: {  	s9 =	sor.u32 $0xD0000000, s2;
	s6 =	simm.s32 $0x108;
	_ =	swait.ge @!p0 [sflag:s8], $0x0  }
0x24: {  	s3 =	sadd.s32 $0x88, s3;
	s6 =	simm.s32 @!p1 $0x1082;
	[sflag:s4] =	ssyncset.s32 $0xFFFFF086  }
0x25: {  	[simem:s6], [sflag:s4] =	dma.local [hbm:s3], $0xF7A  }
0x26: {  	[smem:$0x3F8E] =	sst s1;
	(tag) =	ssettag s2;
	_ =	strace s9  }
0x27: {  	s1 =	sld [smem:$0x3F9E]  }
0x28: {  	s2 =	sld [smem:$0x3F9F]  }
0x29: {  	s4 =	sld [smem:$0x3FA1]  }
0x2a: {  	p0 =	seq.s32 s5, $0x0;
	s5 =	sld [smem:$0x3FA2]  }
0x2b: {  	s6 =	sld [smem:$0x3FA3]  }
0x2c: {  	s7 =	sld [smem:$0x3FA4]  }
0x2d: {  	s3 =	simm.s32 $0x108;
	s8 =	sld [smem:$0x3FA5]  }
0x2e: {  	s3 =	simm.s32 @!p0 $0x1082;
	s9 =	sld [smem:$0x3FA6]  }
0x2f: {  	lr =	sadd.s32 s0, s3;
	s0 =	sld [smem:$0x3F9D]  }
0x30: {  	s3 =	sld [smem:$0x3FA0]  }
0x31: {  	[smem:$0x3FA9] =	sst s10  }
0x32: {  	s10 =	sld [smem:$0x3FA7];
	_ =	sdelay $0x3  }
0x33: {  	p0 =	seq.s32 s10, $0x1;
	s10 =	sld [smem:$0x3FA9];
	_ =	sdelay $0x3  }
0x34: {  	[smem:$0x3FA9] =	sst s10  }
0x35: {  	s10 =	sld [smem:$0x3FA8];
	_ =	sdelay $0x3  }
0x36: {  	p1 =	seq.s32 s10, $0x1;
	s10 =	sld [smem:$0x3FA9];
	_ =	sdelay $0x3  }
0x37: {  	[smem:$0x3FA9] =	sst s10  }
0x38: {  	s10 =	sld [smem:$0x3FAA]  }
0x39: {  	_ = 	snop;
	(pc) =	sbr.ind lr, $3  }
0x3a: {  	_ = 	snop  }
0x3b: {  	_ = 	snop  }
0x3c: {  	p2 =	seq.s32 s10, $0x1;
	s10 =	sld [smem:$0x3FA9]  }
0x3d: {  	_ =	shalt  }
0x3e: {  	_ =	shalt  }
0x3f: {  	_ =	shalt  }
0x40: {  	_ =	shalt  }
0x41: {  	_ =	shalt  }
0x42: {  	_ =	shalt  }
0x43: {  	_ =	shalt  }
0x44: {  	_ =	shalt  }
0x45: {  	_ =	shalt  }
0x46: {  	_ =	shalt  }
0x47: {  	_ =	shalt  }
0x48: {  	_ =	shalt  }
0x49: {  	_ =	shalt  }
0x4a: {  	_ =	shalt  }
0x4b: {  	_ =	shalt  }
0x4c: {  	_ =	shalt  }
0x4d: {  	_ =	shalt  }
0x4e: {  	_ =	shalt  }
0x4f: {  	_ =	shalt  }
0x50: {  	_ =	shalt  }
0x51: {  	_ =	shalt  }
0x52: {  	_ =	shalt  }
0x53: {  	_ =	shalt  }
0x54: {  	_ =	shalt  }
0x55: {  	_ =	shalt  }
0x56: {  	_ =	shalt  }
0x57: {  	_ =	shalt  }
0x58: {  	_ =	shalt  }
0x59: {  	_ =	shalt  }
0x5a: {  	_ =	shalt  }
0x5b: {  	_ =	shalt  }
0x5c: {  	_ =	shalt  }
0x5d: {  	_ =	shalt  }
0x5e: {  	_ =	shalt  }
0x5f: {  	_ =	shalt  }
0x60: {  	_ =	shalt  }
0x61: {  	_ =	shalt  }
0x62: {  	_ =	shalt  }
0x63: {  	_ =	shalt  }
0x64: {  	_ =	shalt  }
0x65: {  	_ =	shalt  }
0x66: {  	_ =	shalt  }
0x67: {  	_ =	shalt  }
0x68: {  	_ =	shalt  }
0x69: {  	_ =	shalt  }
0x6a: {  	_ =	shalt  }
0x6b: {  	_ =	shalt  }
0x6c: {  	_ =	shalt  }
0x6d: {  	_ =	shalt  }
0x6e: {  	_ =	shalt  }
0x6f: {  	_ =	shalt  }
0x70: {  	_ =	shalt  }
0x71: {  	_ =	shalt  }
0x72: {  	_ =	shalt  }
0x73: {  	_ =	shalt  }
0x74: {  	_ =	shalt  }
0x75: {  	_ =	shalt  }
0x76: {  	_ =	shalt  }
0x77: {  	_ =	shalt  }
0x78: {  	_ =	shalt  }
0x79: {  	_ =	shalt  }
0x7a: {  	_ =	shalt  }
0x7b: {  	_ =	shalt  }
0x7c: {  	_ =	shalt  }
0x7d: {  	_ =	shalt  }
0x7e: {  	_ =	shalt  }
0x7f: {  	_ =	shalt  }
0x80: {  	_ =	shalt  }
0x81: {  	_ =	shalt  }
0x82: {  	_ =	shalt  }
0x83: {  	_ =	shalt  }
0x84: {  	_ =	shalt  }
0x85: {  	_ =	shalt  }
0x86: {  	_ =	shalt  }
0x87: {  	_ =	shalt  }
.Lfunc_end0:
.L_simem_size_0:
called_computation.1_lowered:
.L_overlay_start_0:
0x88: {  	s2 =	sld [smem:$0x3FD9]  }
0x89: {  	s3 =	sld [smem:$0x3FFE];
	_ =	sdelay $0x1  }
0x8a: {  	s1 =	srdreg.scid  }
0x8b: {  	s0 =	sand.u32 $0x1, s1  }
0x8c: {  	s16 =	sshll.u32 s0, $0xA;
	s2 =	sadd.s32 s3, s2  }
0x8d: {  	s2 =	sadd.s32 s2, s16  }
0x8e: {  	[smem:$0x3FB5] =	sst s2  }
0x8f: {  	_ = 	snop  }
0x90: {  	(tm) =	ssettm $0x1  }
0x91: {  	s17 =	sld [smem:$0x3FFB];
	_ =	sdelay $0x3  }
0x92: {  	_ =	strace s17  }
0x93: {  	s2 =	sld [smem:$0x3FFC];
	_ =	sdelay $0x3  }
0x94: {  	_ =	strace s2  }
0x95: {  	s2 =	sld [smem:$0x3FFD];
	_ =	sdelay $0x3  }
0x96: {  	_ =	strace s2  }
0x97: {  	_ =	strace $0x8FFFFFFF  }
0x98: {  	s18 =	sld [smem:$0x3FDB];
	_ =	sdelay $0x1  }
0x99: {  	s19 =	simm.s32 $_scs_section_size  }
0x9a: {  	s4 =	simm.s32 $_size__tile_overlayer_lowered;
	s5 =	simm.s32 $_tile_overlayer_lowered  }
0x9b: {  	s22 =	simm.s32 $0x1BFF;
	s21 =	sshll.u32 s5, $0x1;
	s2 =	sadd.s32 s19, s18  }
0x9c: {  	s6 =	simm.s32 $0x0;
	s20 =	sshll.u32 s4, $0x1;
	s4 =	sadd.s32 s21, s2  }
0x9d: {  	[timem:s6], [sflag:s22] =	dma.local [hbm:s4], s20  }
0x9e: {  	_ =	swait.ge [sflag:s22], s20  }
0x9f: {  	s3 =	ssub.s32 $0x0, s20;
	[sflag:s22] =	ssyncset.done $0x0  }
0xa0: {  	[sflag:s22] =	ssyncadd.s32 s3;
	_ =	sdelay $0x1  }
0xa1: {  	s23 =	simm.s32 $0x1B8B  }
0xa2: {  	_ =	swait.ge [sflag:s23], $0x1  }
0xa3: {  	[sflag:s23] =	ssyncset.done $0x0  }
0xa4: {  	s25 =	simm.s32 $0x1B8E;
	s24 =	sld [smem:$0x3FFE];
	[sflag:s23] =	ssyncadd.s32 $0xFFFFFFFF  }
0xa5: {  	s26 =	simm.s32 $execute0_lowered;
	[smem:$0x3FD2] =	sst s25  }
0xa6: {  	s4 =	sshll.u32 s26, $0x1;
	_ =	strace $0x80000049;
	[dreg:$0x1] =	wrdreg $0xFFFFFFFF  }
0xa7: {  	s28 =	simm.s32 $_size_execute0_lowered;
	s2 =	sadd.s32 s2, s4;
	[dreg:$0x0] =	wrdreg $0x0  }
0xa8: {  	s4 =	sshll.u32 s28, $0x1;
	[dreg:$0x2] =	wrdreg s2  }
0xa9: {  	[dreg:$0x3] =	wrdreg s4  }
0xaa: {  	[dreg:$0x4] =	wrdreg $0xC0  }
0xab: {  	_ =	task [dreg:s6], $0x5FFFF  }
0xac: {  	[dreg:$0x1] =	wrdreg $0xFFFFFFFF  }
0xad: {  	[dreg:$0x0] =	wrdreg $0x60  }
0xae: {  	[dreg:$0x2] =	wrdreg s24  }
0xaf: {  	[dreg:$0x3] =	wrdreg $0x0  }
0xb0: {  	[dreg:$0x4] =	wrdreg $0x9  }
0xb1: {  	_ =	task.clear_ibuf [dreg:s6], $0x5FFFF;
	_ =	strace $0x90000049  }
0xb2: {  	s29 =	simm.s32 $0x9;
	_ =	strace $0x8000004B  }
0xb3: {  	_ =	swait.ge [sflag:s29], $0x1  }
0xb4: {  	[sflag:s29] =	ssyncadd.s32 $0xFFFFFFFF  }
0xb5: {  	_ =	strace $0x9000004B  }
0xb6: {  	_ =	sfence  }
0xb7: {  	s30 =	sld [smem:$0x0];
	_ =	sdelay $0x2  }
0xb8: {  	s31 =	sshll.u32 s1, $0xD;
	s1 =	sshrl.u32 s1, $0x2  }
0xb9: {  	s3 =	sand.u32 $0x4000, s31;
	s1 =	sadd.s32 s1, s30  }
0xba: {  	s0 =	sor.u32 s3, s0;
	s1 =	sshll.u32 s1, $0x11  }
0xbb: {  	s0 =	sor.u32 s1, s0  }
0xbc: {  	s0 =	sadd.s32 $0x8F2B, s0  }
0xbd: {  	[sflag:s0] =	ssyncadd.remote.s32 $0x1  }
0xbe: {  	_ =	sfence.sel $0xFFFF  }
0xbf: {  	[dreg:$0x0] =	wrdreg $0xFFFFFFFF;
	(pc) =	sbr.abs _section_cstart, $3  }
0xc0: {  	[dreg:$0x1] =	wrdreg $0xFFFFFFFF  }
0xc1: {  	_ =	task.clear_ibuf [dreg:s6], $0x2FFFF;
	_ =	strace $0x9FFFFFFF  }
0xc2: {  	(tm) =	ssettm $0x7FFFFFFF  }
0xc3: {  	_ =	shalt  }
tec
execute0_lowered:
.L_overlay_start_1:
0x0: {  	(tag) =	ssettag $0x1  }
0x1: {  	s5 =	rddreg [dreg:$0x0];
	s0 =	srdreg.scid  }
0x2: {  	s1 =	rddreg [dreg:$0x1];
	s2 =	stileid.u32  }
0x3: {  	s3 =	simm.s32 $0x0;
	s17 =	simm.s32 $0xCC80;
	s8 =	smul.u32 $0xC380, s2  }
0x4: {  	s4 =	sand.u32 $0x1, s0;
	s0 =	rddreg [dreg:$0x2];
	s9 =	smul.u32 $0x30E00, s2  }
0x5: {  	s18 =	simm.s32 $0x2;
	[smem:$0x7FF] =	sst s3;
	s6 =	smul.u32 $0xC350, s4  }
0x6: {  	s15 =	sshll.u32 s2, $0x4;
	s7 =	smul.u32 $0xC3800, s4;
	s30 =	ssub.s32 $0x2, s4  }
0x7: {  	_ =	strace $0x8000004A;
	s4 =	sadd.s32 $0x34200, s5;
	s10 =	sshrl.u32 s30, $0x1  }
0x8: {  	s31 =	sshrl.u32 s9, $0x2;
	s19 =	sadd.s32 s8, s1;
	s14 =	sadd.s32 s6, s5  }
0x9: {  	s29 =	sadd.s32 s8, s7;
	s7 =	ssub.s32 s30, s10;
	s19 =	sshrl.u32 s19, $0x3  }
0xa: {  	s6 =	sshrl.u32 s29, $0x3;
	s7 =	smax.u32 s7, $0x1;
	s16 =	sadd.s32 s15, s14  }
0xb: {  	s5 =	sadd.s32 s6, s5;
	s6 =	sadd.s32 s31, s1;
	s15 =	sadd.s32 $0x3200, s16  }
0xc: {  	s16 =	sadd.s32 $0x1BA00, s16;
	s5 =	sadd.s32 $0x4CA00, s5;
	s8 =	sadd.s32 $0x1870, s6  }
0xd: {  	s9 =	sadd.s32 $0x30E0, s6;
	s10 =	sadd.s32 $0x4950, s6;
	s11 =	sadd.s32 $0x61C0, s6  }
0xe: {  	v0 =	vimm.f32 $0.0e+00;
	s12 =	sadd.s32 $0x7A30, s6;
	s13 =	sadd.s32 $0x92A0, s6;
	s14 =	sadd.s32 $0xAB10, s6  }
.LBB2_1:
0xf: {  	s20 =	simm.s32 $0x40;
	s21 =	simm.s32 $0x0  }
.LBB2_2:
0x10: {  	p0 =	sne.s32 s20, $0x6180;
	[tilespmem:s21+$0xCC80] =	vst v0;
	s21 =	smov.u32 s20;
	s20 =	sadd.s32 $0x40, s20  }
.Ltmp0:
0x11: {  	(pc) =	sbr.rel @p0 .LBB2_2-.Ltmp0, $2  }
0x12: {  	_ =	sdelay $0x2  }
0x13: {  	s21 =	sshra.s32 s21, $0x2  }
0x14: {  	[tilespmem:s21+$0xCC80] =	vst v0  }
0x15: {  	[spmem:s6] =	stream.linear.scatter [tilespmem:s17], [sflag:$0x2], $0x1870, $0x38;
	[tilespmem:$0xE4F0] =	vst v63  }
0x16: {  	_ =	swait.ge [sflag:s18], $0x1870  }
0x17: {  	[sflag:s18] =	ssyncset.done $0x0  }
0x18: {  	[sflag:s18] =	ssyncadd.s32 $0xFFFFE790  }
0x19: {  	[spmem:s8] =	stream.linear.scatter [tilespmem:s17], [sflag:$0x2], $0x1870, $0x38;
	[tilespmem:$0xE4F0] =	vst v63  }
0x1a: {  	_ =	swait.ge [sflag:s18], $0x1870  }
0x1b: {  	[sflag:s18] =	ssyncset.done $0x0  }
0x1c: {  	[sflag:s18] =	ssyncadd.s32 $0xFFFFE790  }
0x1d: {  	[spmem:s9] =	stream.linear.scatter [tilespmem:s17], [sflag:$0x2], $0x1870, $0x38;
	[tilespmem:$0xE4F0] =	vst v63  }
0x1e: {  	_ =	swait.ge [sflag:s18], $0x1870  }
0x1f: {  	[sflag:s18] =	ssyncset.done $0x0  }
0x20: {  	[sflag:s18] =	ssyncadd.s32 $0xFFFFE790  }
0x21: {  	[spmem:s10] =	stream.linear.scatter [tilespmem:s17], [sflag:$0x2], $0x1870, $0x38;
	[tilespmem:$0xE4F0] =	vst v63  }
0x22: {  	_ =	swait.ge [sflag:s18], $0x1870  }
0x23: {  	[sflag:s18] =	ssyncset.done $0x0  }
0x24: {  	[sflag:s18] =	ssyncadd.s32 $0xFFFFE790  }
0x25: {  	[spmem:s11] =	stream.linear.scatter [tilespmem:s17], [sflag:$0x2], $0x1870, $0x38;
	[tilespmem:$0xE4F0] =	vst v63  }
0x26: {  	_ =	swait.ge [sflag:s18], $0x1870  }
0x27: {  	[sflag:s18] =	ssyncset.done $0x0  }
0x28: {  	[sflag:s18] =	ssyncadd.s32 $0xFFFFE790  }
0x29: {  	[spmem:s12] =	stream.linear.scatter [tilespmem:s17], [sflag:$0x2], $0x1870, $0x38;
	[tilespmem:$0xE4F0] =	vst v63  }
0x2a: {  	_ =	swait.ge [sflag:s18], $0x1870  }
0x2b: {  	[sflag:s18] =	ssyncset.done $0x0  }
0x2c: {  	[sflag:s18] =	ssyncadd.s32 $0xFFFFE790  }
0x2d: {  	[spmem:s13] =	stream.linear.scatter [tilespmem:s17], [sflag:$0x2], $0x1870, $0x38;
	[tilespmem:$0xE4F0] =	vst v63  }
0x2e: {  	_ =	swait.ge [sflag:s18], $0x1870  }
0x2f: {  	[sflag:s18] =	ssyncset.done $0x0  }
0x30: {  	[sflag:s18] =	ssyncadd.s32 $0xFFFFE790  }
0x31: {  	[spmem:s14] =	stream.linear.scatter [tilespmem:s17], [sflag:$0x2], $0x1870, $0x38;
	[tilespmem:$0xE4F0] =	vst v63  }
0x32: {  	_ =	swait.ge [sflag:s18], $0x1870  }
0x33: {  	p0 =	sgt.u32 s2, $0xC34;
	[sflag:s18] =	ssyncset.done $0x0  }
0x34: {  	s20 =	sadd.s32 @!p0 $0x0, s16;
	s21 =	simm.s32 @!p0 $0x0;
	[sflag:s18] =	ssyncadd.s32 $0xFFFFE790  }
0x35: {  	s22 =	simm.s32 @!p0 $0xC380;
	s23 =	simm.s32 @!p0 $0x3;
	[bflag:$0x0] =	sbarrier.arrive $0xFFFF  }
0x36: {  	[tilespmem:s22], [sflag:$0x3] =	stream.linear.gather @!p0 [hbm4b:s20+s21], $0x80, $0x38;
	[tilespmem:$0xE4F0] =	vst v63  }
0x37: {  	_ =	swait.ge @!p0 [sflag:s23], $0x80  }
0x38: {  	[sflag:s23] =	ssyncset.done @!p0 $0x0  }
0x39: {  	s24 =	simm.s32 @!p0 $0xC400;
	s20 =	sadd.s32 @!p0 $0x0, s15;
	[sflag:s23] =	ssyncadd.s32 @!p0 $0xFFFFFF80  }
0x3a: {  	[tilespmem:s24], [sflag:$0x3] =	stream.linear.gather @!p0 [hbm4b:s20+s21], $0x80, $0x38;
	[tilespmem:$0xE4F0] =	vst v63  }
0x3b: {  	_ =	swait.ge @!p0 [sflag:s23], $0x80;
	p0 =	por p0, p0  }
0x3c: {  	[sflag:s23] =	ssyncset.done @!p0 $0x0;
	s20 =	simm.s32 @!p0 $0x80  }
0x3d: {  	s21 =	simm.s32 @!p0 $0xC480;
	[sflag:s23] =	ssyncadd.s32 @!p0 $0xFFFFFF80;
	s23 =	simm.s32 @!p0 $0x1  }
0x3e: {  	[tilespmem:s21], [sflag:$0x1] =	stream.indirect.gather @!p0 [hbm4b:s4+s20], $0x10, s22, s20, $0xb8;
	[tilespmem:$0xE4F0] =	vst v63  }
0x3f: {  	_ =	swait.ge @!p0 [sflag:s23], $0x800  }
0x40: {  	[sflag:s23] =	ssyncset.done @!p0 $0x0  }
0x41: {  	[sflag:s23] =	ssyncadd.s32 @!p0 $0xFFFFF800  }
0x42: {  	[spmem:s1] =	stream.indirect.scatter.add.f32 @!p0 [tilespmem:s21], [sflag:$0x2], $0x10, s24, s20, $0xb8;
	[tilespmem:$0xE4F0] =	vst v63  }
0x43: {  	s22 =	simm.s32 $0x200;
	s23 =	simm.s32 @!p0 $0x2;
	s21 =	sadd.s32 $0x10, s2  }
0x44: {  	s20 =	simm.s32 $0x100;
	p1 =	sgt.u32 s21, $0xC34;
	_ =	swait.ge @!p0 [sflag:s23], $0x800  }
.LBB2_4:
0x45: {  	s24 =	sadd.s32 @!p1 s20, s16;
	s25 =	simm.s32 @!p1 $0x0;
	[sflag:s23] =	ssyncset.done @!p0 $0x0  }
0x46: {  	s26 =	simm.s32 @!p1 $0xC380;
	s28 =	simm.s32 @!p1 $0x3;
	[sflag:s23] =	ssyncadd.s32 @!p0 $0xFFFFF800  }
0x47: {  	[tilespmem:s26], [sflag:$0x3] =	stream.linear.gather @!p1 [hbm4b:s24+s25], $0x80, $0x38;
	[tilespmem:$0xE4F0] =	vst v63  }
0x48: {  	s23 =	smov.u32 s22;
	s22 =	sadd.s32 $0x100, s22;
	_ =	swait.ge @!p1 [sflag:s28], $0x80  }
0x49: {  	s29 =	simm.s32 @!p1 $0xC400;
	s24 =	sadd.s32 @!p1 s20, s15;
	[sflag:s28] =	ssyncset.done @!p1 $0x0  }
0x4a: {  	p2 =	sne.s32 s22, $0xC400;
	s20 =	smov.u32 s23;
	[sflag:s28] =	ssyncadd.s32 @!p1 $0xFFFFFF80  }
0x4b: {  	[tilespmem:s29], [sflag:$0x3] =	stream.linear.gather @!p1 [hbm4b:s24+s25], $0x80, $0x38;
	[tilespmem:$0xE4F0] =	vst v63  }
0x4c: {  	p0 =	por p1, p1;
	_ =	swait.ge @!p1 [sflag:s28], $0x80  }
0x4d: {  	s24 =	simm.s32 @!p0 $0x80;
	s25 =	simm.s32 @!p0 $0xC480;
	[sflag:s28] =	ssyncset.done @!p0 $0x0  }
0x4e: {  	s23 =	simm.s32 @!p0 $0x1;
	[sflag:s28] =	ssyncadd.s32 @!p0 $0xFFFFFF80  }
0x4f: {  	[tilespmem:s25], [sflag:$0x1] =	stream.indirect.gather @!p0 [hbm4b:s4+s24], $0x10, s26, s24, $0xb8;
	[tilespmem:$0xE4F0] =	vst v63  }
.Ltmp1:
0x50: {  	_ =	swait.ge @!p0 [sflag:s23], $0x800;
	(pc) =	sbr.rel @p2 .LBB2_4-.Ltmp1, $4  }
0x51: {  	[sflag:s23] =	ssyncset.done @!p0 $0x0  }
0x52: {  	s21 =	sadd.s32 $0x10, s21;
	[sflag:s23] =	ssyncadd.s32 @!p0 $0xFFFFF800;
	s23 =	simm.s32 @!p0 $0x2  }
0x53: {  	[spmem:s1] =	stream.indirect.scatter.add.f32 @!p0 [tilespmem:s25], [sflag:$0x2], $0x10, s29, s24, $0xb8;
	[tilespmem:$0xE4F0] =	vst v63  }
0x54: {  	p1 =	sgt.u32 s21, $0xC34;
	_ =	swait.ge @!p0 [sflag:s23], $0x800  }
0x55: {  	s21 =	sadd.s32 @!p1 s20, s16;
	s22 =	simm.s32 @!p1 $0x0;
	[sflag:s23] =	ssyncset.done @!p0 $0x0  }
0x56: {  	s24 =	simm.s32 @!p1 $0xC380;
	s25 =	simm.s32 @!p1 $0x3;
	[sflag:s23] =	ssyncadd.s32 @!p0 $0xFFFFF800  }
0x57: {  	[tilespmem:s24], [sflag:$0x3] =	stream.linear.gather @!p1 [hbm4b:s21+s22], $0x80, $0x38;
	[tilespmem:$0xE4F0] =	vst v63  }
0x58: {  	_ =	swait.ge @!p1 [sflag:s25], $0x80  }
0x59: {  	[sflag:s25] =	ssyncset.done @!p1 $0x0  }
0x5a: {  	s20 =	sadd.s32 @!p1 s20, s15;
	s21 =	simm.s32 @!p1 $0xC400;
	[sflag:s25] =	ssyncadd.s32 @!p1 $0xFFFFFF80  }
0x5b: {  	[tilespmem:s21], [sflag:$0x3] =	stream.linear.gather @!p1 [hbm4b:s20+s22], $0x80, $0x38;
	[tilespmem:$0xE4F0] =	vst v63  }
0x5c: {  	p0 =	por p1, p1;
	_ =	swait.ge @!p1 [sflag:s25], $0x80  }
0x5d: {  	s23 =	simm.s32 @!p0 $0x1;
	[sflag:s25] =	ssyncset.done @!p0 $0x0  }
0x5e: {  	s20 =	simm.s32 @!p0 $0x80;
	s22 =	simm.s32 @!p0 $0xC480;
	[sflag:s25] =	ssyncadd.s32 @!p0 $0xFFFFFF80  }
0x5f: {  	[tilespmem:s22], [sflag:$0x1] =	stream.indirect.gather @!p0 [hbm4b:s4+s20], $0x10, s24, s20, $0xb8;
	[tilespmem:$0xE4F0] =	vst v63  }
0x60: {  	_ =	swait.ge @!p0 [sflag:s23], $0x800  }
0x61: {  	[sflag:s23] =	ssyncset.done @!p0 $0x0  }
0x62: {  	[sflag:s23] =	ssyncadd.s32 @!p0 $0xFFFFF800;
	s23 =	simm.s32 @!p0 $0x2  }
0x63: {  	[spmem:s1] =	stream.indirect.scatter.add.f32 @!p0 [tilespmem:s22], [sflag:$0x2], $0x10, s21, s20, $0xb8;
	[tilespmem:$0xE4F0] =	vst v63  }
0x64: {  	_ =	swait.ge @!p0 [sflag:s23], $0x800  }
0x65: {  	s3 =	sadd.s32 $0x1, s3;
	[sflag:s23] =	ssyncset.done @!p0 $0x0  }
0x66: {  	s31 =	sshll.u32 s2, $0x6;
	[sflag:s23] =	ssyncadd.s32 @!p0 $0xFFFFF800;
	p0 =	sne.s32 s3, s7  }
.Ltmp2:
0x67: {  	s20 =	sor.u32 $0x1C02, s31;
	[bflag:$0x0] =	sbarrier.arrive $0xFFFF;
	(pc) =	sbr.rel @p0 .LBB2_1-.Ltmp2, $4  }
0x68: {  	[hbm:s5], [sflag:s20] =	dma.local [spmem:s19], $0x1870  }
0x69: {  	_ =	swait.ge [sflag:s18], $0x1870  }
0x6a: {  	[sflag:s18] =	ssyncset.done $0x0  }
0x6b: {  	[sflag:s18] =	ssyncadd.s32 $0xFFFFE790  }
0x6c: {  	_ =	sfence.sel $0x180000  }
0x6d: {  	[bflag:$0x0] =	sbarrier.arrive $0xFFFF  }
0x6e: {  	p0 =	sne.s32 s2, $0x0;
	_ =	strace $0x9000004A  }
0x6f: {  	s0 =	sadd.s32 @!p0 $0x100000, s0;
	[bflag:$0x2] =	sbarrier.arrive $0xFFFF  }
0x70: {  	[sflag:s0] =	ssyncadd.tile.s32 @!p0 $0x1;
	_ =	shalt  }
.Lfunc_end2:
_tile_overlayer_lowered:
.L_overlay_start_2:
0x71: {  	(tag) =	ssettag $0x2  }
0x72: {  	s0 =	rddreg [dreg:$0x0];
	s2 =	stileid.u32  }
0x73: {  	s1 =	rddreg [dreg:$0x1];
	p0 =	sne.s32 s2, $0x0  }
0x74: {  	s3 =	rddreg [dreg:$0x2];
	[bflag:$0x3] =	sbarrier.arrive $0xFFFF;
	s2 =	simm.s32 @!p0 $0x1C02  }
0x75: {  	[timem:s3], [sflag:s2] =	dma.local @!p0 [hbm:s0], s1  }
0x76: {  	s0 =	simm.s32 @!p0 $0x2  }
0x77: {  	_ =	swait.ge @!p0 [sflag:s0], s1  }
0x78: {  	s1 =	ssub.s32 @!p0 $0x0, s1;
	[sflag:s0] =	ssyncset.done @!p0 $0x0  }
0x79: {  	[sflag:s0] =	ssyncadd.s32 @!p0 s1  }
0x7a: {  	[bflag:$0x3] =	sbarrier.arrive $0xFFFF  }
0x7b: {  	_ =	shalt  }

// kernel: kernel.17.cloned.1.call-start
scs
__scs_entry_jumppad:
0x0: {  	(pc) =	sbr.rel $0x88, $3  }
0x1: {  	(tag) =	ssettag $0x0;
	lr =	simm.s32 $0x1  }
0x2: {  	[smem:$0x3F8E] =	sst lr;
	_ =	strace $0xD0000000  }
0x3: {  	_ = 	snop  }
0x4: {  	_ = 	snop  }
0x5: {  	_ = 	snop  }
0x6: {  	_ = 	snop  }
0x7: {  	_ = 	snop  }
__scs_overlays_trampoline_lowered:
0x8: {  	[smem:$0x3F9D] =	sst s0  }
0x9: {  	[smem:$0x3F9E] =	sst s1  }
0xa: {  	[smem:$0x3F9F] =	sst s2  }
0xb: {  	[smem:$0x3FA0] =	sst s3  }
0xc: {  	[smem:$0x3FA1] =	sst s4  }
0xd: {  	[smem:$0x3FA2] =	sst s5  }
0xe: {  	[smem:$0x3FA3] =	sst s6  }
0xf: {  	[smem:$0x3FA4] =	sst s7  }
0x10: {  	[smem:$0x3FA5] =	sst s8  }
0x11: {  	[smem:$0x3FA6] =	sst s9;
	s0 =	simm.s32 @!p0 $0x0  }
0x12: {  	s1 =	sld [smem:$0x3F8C];
	s0 =	simm.s32 @p0 $0x1  }
0x13: {  	[smem:$0x3FA7] =	sst s0;
	s0 =	simm.s32 @!p1 $0x0  }
0x14: {  	s2 =	sld [smem:$0x3F8B];
	s0 =	simm.s32 @p1 $0x1  }
0x15: {  	[smem:$0x3FA8] =	sst s0;
	s0 =	simm.s32 @!p2 $0x0  }
0x16: {  	s3 =	sld [smem:$0x3FDB];
	s0 =	simm.s32 @p2 $0x1  }
0x17: {  	s4 =	simm.s32 $0x1BF5;
	[smem:$0x3FAA] =	sst s0  }
0x18: {  	s0 =	sld [smem:$0x3F8D];
	_ =	swait.ge [sflag:s4], $0x0  }
0x19: {  	s7 =	sld [smem:$0x3F8E]  }
0x1a: {  	s8 =	sadd.s32 $0xFFFFE003, lr  }
0x1b: {  	s9 =	sadd.s32 $0xFFFFFEF7, lr;
	s5 =	simm.s32 $0xFFFFFFFF;
	p2 =	slt.u32 s8, $0xFFFFF086  }
0x1c: {  	p1 =	slt.u32 s9, $0xF7A;
	s5 =	simm.s32 @!p2 $0x0  }
0x1d: {  	s5 =	simm.s32 @p1 $0x1;
	p0 =	seq.s32 s7, s2  }
0x1e: {  	s7 =	smul.u32 @!p0 $0xF7A, s2;
	p2 =	seq.s32 @!p0 s5, $0x0  }
0x1f: {  	s9 =	smul.u32 $0xF7A, s1;
	s8 =	simm.s32 @!p0 $0x1BF5;
	p2 =	por !p2, p0  }
0x20: {  	[sflag:s8] =	ssyncset.s32 @!p0 $0xFFFFF086;
	s6 =	sadd.s32 @!p0 s3, s7;
	s7 =	simm.s32 @!p0 $0x108  }
0x21: {  	s3 =	sadd.s32 s3, s9;
	s6 =	sadd.s32 @!p0 $0x88, s6;
	s7 =	simm.s32 @p2 $0x1082  }
0x22: {  	[simem:s7], [sflag:s8] =	dma.local @!p0 [hbm:s6], $0xF7A  }
0x23: {  	s9 =	sor.u32 $0xD0000000, s2;
	s6 =	simm.s32 $0x108;
	_ =	swait.ge @!p0 [sflag:s8], $0x0  }
0x24: {  	s3 =	sadd.s32 $0x88, s3;
	s6 =	simm.s32 @!p1 $0x1082;
	[sflag:s4] =	ssyncset.s32 $0xFFFFF086  }
0x25: {  	[simem:s6], [sflag:s4] =	dma.local [hbm:s3], $0xF7A  }
0x26: {  	[smem:$0x3F8E] =	sst s1;
	(tag) =	ssettag s2;
	_ =	strace s9  }
0x27: {  	s1 =	sld [smem:$0x3F9E]  }
0x28: {  	s2 =	sld [smem:$0x3F9F]  }
0x29: {  	s4 =	sld [smem:$0x3FA1]  }
0x2a: {  	p0 =	seq.s32 s5, $0x0;
	s5 =	sld [smem:$0x3FA2]  }
0x2b: {  	s6 =	sld [smem:$0x3FA3]  }
0x2c: {  	s7 =	sld [smem:$0x3FA4]  }
0x2d: {  	s3 =	simm.s32 $0x108;
	s8 =	sld [smem:$0x3FA5]  }
0x2e: {  	s3 =	simm.s32 @!p0 $0x1082;
	s9 =	sld [smem:$0x3FA6]  }
0x2f: {  	lr =	sadd.s32 s0, s3;
	s0 =	sld [smem:$0x3F9D]  }
0x30: {  	s3 =	sld [smem:$0x3FA0]  }
0x31: {  	[smem:$0x3FA9] =	sst s10  }
0x32: {  	s10 =	sld [smem:$0x3FA7];
	_ =	sdelay $0x3  }
0x33: {  	p0 =	seq.s32 s10, $0x1;
	s10 =	sld [smem:$0x3FA9];
	_ =	sdelay $0x3  }
0x34: {  	[smem:$0x3FA9] =	sst s10  }
0x35: {  	s10 =	sld [smem:$0x3FA8];
	_ =	sdelay $0x3  }
0x36: {  	p1 =	seq.s32 s10, $0x1;
	s10 =	sld [smem:$0x3FA9];
	_ =	sdelay $0x3  }
0x37: {  	[smem:$0x3FA9] =	sst s10  }
0x38: {  	s10 =	sld [smem:$0x3FAA]  }
0x39: {  	_ = 	snop;
	(pc) =	sbr.ind lr, $3  }
0x3a: {  	_ = 	snop  }
0x3b: {  	_ = 	snop  }
0x3c: {  	p2 =	seq.s32 s10, $0x1;
	s10 =	sld [smem:$0x3FA9]  }
0x3d: {  	_ =	shalt  }
0x3e: {  	_ =	shalt  }
0x3f: {  	_ =	shalt  }
0x40: {  	_ =	shalt  }
0x41: {  	_ =	shalt  }
0x42: {  	_ =	shalt  }
0x43: {  	_ =	shalt  }
0x44: {  	_ =	shalt  }
0x45: {  	_ =	shalt  }
0x46: {  	_ =	shalt  }
0x47: {  	_ =	shalt  }
0x48: {  	_ =	shalt  }
0x49: {  	_ =	shalt  }
0x4a: {  	_ =	shalt  }
0x4b: {  	_ =	shalt  }
0x4c: {  	_ =	shalt  }
0x4d: {  	_ =	shalt  }
0x4e: {  	_ =	shalt  }
0x4f: {  	_ =	shalt  }
0x50: {  	_ =	shalt  }
0x51: {  	_ =	shalt  }
0x52: {  	_ =	shalt  }
0x53: {  	_ =	shalt  }
0x54: {  	_ =	shalt  }
0x55: {  	_ =	shalt  }
0x56: {  	_ =	shalt  }
0x57: {  	_ =	shalt  }
0x58: {  	_ =	shalt  }
0x59: {  	_ =	shalt  }
0x5a: {  	_ =	shalt  }
0x5b: {  	_ =	shalt  }
0x5c: {  	_ =	shalt  }
0x5d: {  	_ =	shalt  }
0x5e: {  	_ =	shalt  }
0x5f: {  	_ =	shalt  }
0x60: {  	_ =	shalt  }
0x61: {  	_ =	shalt  }
0x62: {  	_ =	shalt  }
0x63: {  	_ =	shalt  }
0x64: {  	_ =	shalt  }
0x65: {  	_ =	shalt  }
0x66: {  	_ =	shalt  }
0x67: {  	_ =	shalt  }
0x68: {  	_ =	shalt  }
0x69: {  	_ =	shalt  }
0x6a: {  	_ =	shalt  }
0x6b: {  	_ =	shalt  }
0x6c: {  	_ =	shalt  }
0x6d: {  	_ =	shalt  }
0x6e: {  	_ =	shalt  }
0x6f: {  	_ =	shalt  }
0x70: {  	_ =	shalt  }
0x71: {  	_ =	shalt  }
0x72: {  	_ =	shalt  }
0x73: {  	_ =	shalt  }
0x74: {  	_ =	shalt  }
0x75: {  	_ =	shalt  }
0x76: {  	_ =	shalt  }
0x77: {  	_ =	shalt  }
0x78: {  	_ =	shalt  }
0x79: {  	_ =	shalt  }
0x7a: {  	_ =	shalt  }
0x7b: {  	_ =	shalt  }
0x7c: {  	_ =	shalt  }
0x7d: {  	_ =	shalt  }
0x7e: {  	_ =	shalt  }
0x7f: {  	_ =	shalt  }
0x80: {  	_ =	shalt  }
0x81: {  	_ =	shalt  }
0x82: {  	_ =	shalt  }
0x83: {  	_ =	shalt  }
0x84: {  	_ =	shalt  }
0x85: {  	_ =	shalt  }
0x86: {  	_ =	shalt  }
0x87: {  	_ =	shalt  }
.Lfunc_end0:
.L_simem_size_0:
called_computation.2_lowered:
.L_overlay_start_0:
0x88: {  	s2 =	sld [smem:$0x3FD9]  }
0x89: {  	s3 =	sld [smem:$0x3FFE];
	_ =	sdelay $0x1  }
0x8a: {  	s1 =	srdreg.scid  }
0x8b: {  	s0 =	sand.u32 $0x1, s1  }
0x8c: {  	s16 =	sshll.u32 s0, $0xA;
	s2 =	sadd.s32 s3, s2  }
0x8d: {  	s2 =	sadd.s32 s2, s16  }
0x8e: {  	[smem:$0x3FB5] =	sst s2  }
0x8f: {  	_ = 	snop  }
0x90: {  	(tm) =	ssettm $0x1  }
0x91: {  	s17 =	sld [smem:$0x3FFB];
	_ =	sdelay $0x3  }
0x92: {  	_ =	strace s17  }
0x93: {  	s2 =	sld [smem:$0x3FFC];
	_ =	sdelay $0x3  }
0x94: {  	_ =	strace s2  }
0x95: {  	s2 =	sld [smem:$0x3FFD];
	_ =	sdelay $0x3  }
0x96: {  	_ =	strace s2  }
0x97: {  	_ =	strace $0x8FFFFFFF  }
0x98: {  	s18 =	sld [smem:$0x3FDB];
	_ =	sdelay $0x1  }
0x99: {  	s19 =	simm.s32 $_scs_section_size  }
0x9a: {  	s4 =	simm.s32 $_size__tile_overlayer_lowered;
	s5 =	simm.s32 $_tile_overlayer_lowered  }
0x9b: {  	s22 =	simm.s32 $0x1BFF;
	s21 =	sshll.u32 s5, $0x1;
	s2 =	sadd.s32 s19, s18  }
0x9c: {  	s6 =	simm.s32 $0x0;
	s20 =	sshll.u32 s4, $0x1;
	s4 =	sadd.s32 s21, s2  }
0x9d: {  	[timem:s6], [sflag:s22] =	dma.local [hbm:s4], s20  }
0x9e: {  	_ =	swait.ge [sflag:s22], s20  }
0x9f: {  	s3 =	ssub.s32 $0x0, s20;
	[sflag:s22] =	ssyncset.done $0x0  }
0xa0: {  	[sflag:s22] =	ssyncadd.s32 s3;
	_ =	sdelay $0x1  }
0xa1: {  	s23 =	simm.s32 $0x1B8B  }
0xa2: {  	_ =	swait.ge [sflag:s23], $0x1  }
0xa3: {  	[sflag:s23] =	ssyncset.done $0x0  }
0xa4: {  	s25 =	simm.s32 $0x1B8E;
	s24 =	sld [smem:$0x3FFE];
	[sflag:s23] =	ssyncadd.s32 $0xFFFFFFFF  }
0xa5: {  	s26 =	simm.s32 $execute0_lowered;
	[smem:$0x3FD2] =	sst s25  }
0xa6: {  	s4 =	sshll.u32 s26, $0x1;
	_ =	strace $0x8000004C;
	[dreg:$0x1] =	wrdreg $0xFFFFFFFF  }
0xa7: {  	s28 =	simm.s32 $_size_execute0_lowered;
	s2 =	sadd.s32 s2, s4;
	[dreg:$0x0] =	wrdreg $0x0  }
0xa8: {  	s4 =	sshll.u32 s28, $0x1;
	[dreg:$0x2] =	wrdreg s2  }
0xa9: {  	[dreg:$0x3] =	wrdreg s4  }
0xaa: {  	[dreg:$0x4] =	wrdreg $0xC0  }
0xab: {  	_ =	task [dreg:s6], $0x5FFFF  }
0xac: {  	[dreg:$0x1] =	wrdreg $0xFFFFFFFF  }
0xad: {  	[dreg:$0x0] =	wrdreg $0x60  }
0xae: {  	[dreg:$0x2] =	wrdreg s24  }
0xaf: {  	[dreg:$0x3] =	wrdreg $0x0  }
0xb0: {  	[dreg:$0x4] =	wrdreg $0x9  }
0xb1: {  	_ =	task.clear_ibuf [dreg:s6], $0x5FFFF;
	_ =	strace $0x9000004C  }
0xb2: {  	s29 =	simm.s32 $0x9;
	_ =	strace $0x8000004E  }
0xb3: {  	_ =	swait.ge [sflag:s29], $0x1  }
0xb4: {  	[sflag:s29] =	ssyncadd.s32 $0xFFFFFFFF  }
0xb5: {  	_ =	strace $0x9000004E  }
0xb6: {  	_ =	sfence  }
0xb7: {  	s30 =	sld [smem:$0x0];
	_ =	sdelay $0x2  }
0xb8: {  	s31 =	sshll.u32 s1, $0xD;
	s1 =	sshrl.u32 s1, $0x2  }
0xb9: {  	s3 =	sand.u32 $0x4000, s31;
	s1 =	sadd.s32 s1, s30  }
0xba: {  	s0 =	sor.u32 s3, s0;
	s1 =	sshll.u32 s1, $0x11  }
0xbb: {  	s0 =	sor.u32 s1, s0  }
0xbc: {  	s0 =	sadd.s32 $0x8F2B, s0  }
0xbd: {  	[sflag:s0] =	ssyncadd.remote.s32 $0x1  }
0xbe: {  	_ =	sfence.sel $0xFFFF  }
0xbf: {  	[dreg:$0x0] =	wrdreg $0xFFFFFFFF;
	(pc) =	sbr.abs _section_cstart, $3  }
0xc0: {  	[dreg:$0x1] =	wrdreg $0xFFFFFFFF  }
0xc1: {  	_ =	task.clear_ibuf [dreg:s6], $0x2FFFF;
	_ =	strace $0x9FFFFFFF  }
0xc2: {  	(tm) =	ssettm $0x7FFFFFFF  }
0xc3: {  	_ =	shalt  }
tec
execute0_lowered:
.L_overlay_start_1:
0x0: {  	(tag) =	ssettag $0x1  }
0x1: {  	s5 =	rddreg [dreg:$0x0]  }
0x2: {  	s1 =	rddreg [dreg:$0x1]  }
0x3: {  	s2 =	srdreg.scid;
	s0 =	rddreg [dreg:$0x2]  }
0x4: {  	s3 =	simm.s32 $0x0;
	s6 =	sand.u32 $0x1, s2;
	s2 =	stileid.u32  }
0x5: {  	[smem:$0x7FF] =	sst s3;
	s4 =	smul.u32 $0x187000, s6  }
0x6: {  	s18 =	simm.s32 $0x2;
	s7 =	smul.u32 $0x18700, s2;
	_ =	strace $0x8000004D  }
0x7: {  	s8 =	sshll.u32 s2, $0x4;
	s30 =	ssub.s32 $0x2, s6;
	s11 =	smul.u32 $0x61C00, s2  }
0x8: {  	s17 =	smul.u32 $0xC350, s6;
	s16 =	sadd.s32 s8, s5;
	s10 =	sshrl.u32 s30, $0x1  }
0x9: {  	s4 =	sadd.s32 s7, s4;
	s8 =	ssub.s32 s30, s10;
	s31 =	sshrl.u32 s11, $0x2  }
0xa: {  	s19 =	sadd.s32 s7, s1;
	s15 =	sadd.s32 $0x3200, s16;
	s16 =	sadd.s32 $0x1BA00, s16  }
0xb: {  	v0 =	vmov s17;
	s17 =	simm.s32 $0x19800;
	s9 =	sshrl.u32 s4, $0x3;
	s4 =	sadd.s32 $0x1BAC00, s5  }
0xc: {  	s6 =	smax.u32 s8, $0x1;
	s7 =	sadd.s32 s31, s1;
	s19 =	sshrl.u32 s19, $0x3  }
0xd: {  	s5 =	sadd.s32 s9, s5;
	s8 =	sadd.s32 $0x30E0, s7;
	s9 =	sadd.s32 $0x61C0, s7  }
0xe: {  	s10 =	sadd.s32 $0x92A0, s7;
	s11 =	sadd.s32 $0xC380, s7;
	s12 =	sadd.s32 $0xF460, s7  }
0xf: {  	v1 =	vimm.f32 $0.0e+00;
	s13 =	sadd.s32 $0x12540, s7;
	s14 =	sadd.s32 $0x15620, s7;
	s5 =	sadd.s32 $0x21C800, s5  }
.LBB2_1:
0x10: {  	s20 =	simm.s32 $0x80;
	s21 =	simm.s32 $0x0  }
.LBB2_2:
0x11: {  	p0 =	sne.s32 s20, $0xC300;
	[tilespmem:s21+$0x19800] =	vst v1;
	s22 =	smov.u32 s20;
	s20 =	sadd.s32 $0x80, s20  }
.Ltmp0:
0x12: {  	[tilespmem:s21+$0x19810] =	vst v1;
	(pc) =	sbr.rel @p0 .LBB2_2-.Ltmp0, $2  }
0x13: {  	_ =	sdelay $0x2  }
0x14: {  	s21 =	sshra.s32 s22, $0x2  }
0x15: {  	[tilespmem:s21+$0x19800] =	vst v1  }
0x16: {  	[tilespmem:s21+$0x19810] =	vst v1  }
0x17: {  	[spmem:s7] =	stream.linear.scatter [tilespmem:s17], [sflag:$0x2], $0x30E0, $0x38;
	[tilespmem:$0x1C8E0] =	vst v63  }
0x18: {  	_ =	swait.ge [sflag:s18], $0x30E0  }
0x19: {  	[sflag:s18] =	ssyncset.done $0x0  }
0x1a: {  	[sflag:s18] =	ssyncadd.s32 $0xFFFFCF20  }
0x1b: {  	[spmem:s8] =	stream.linear.scatter [tilespmem:s17], [sflag:$0x2], $0x30E0, $0x38;
	[tilespmem:$0x1C8E0] =	vst v63  }
0x1c: {  	_ =	swait.ge [sflag:s18], $0x30E0  }
0x1d: {  	[sflag:s18] =	ssyncset.done $0x0  }
0x1e: {  	[sflag:s18] =	ssyncadd.s32 $0xFFFFCF20  }
0x1f: {  	[spmem:s9] =	stream.linear.scatter [tilespmem:s17], [sflag:$0x2], $0x30E0, $0x38;
	[tilespmem:$0x1C8E0] =	vst v63  }
0x20: {  	_ =	swait.ge [sflag:s18], $0x30E0  }
0x21: {  	[sflag:s18] =	ssyncset.done $0x0  }
0x22: {  	[sflag:s18] =	ssyncadd.s32 $0xFFFFCF20  }
0x23: {  	[spmem:s10] =	stream.linear.scatter [tilespmem:s17], [sflag:$0x2], $0x30E0, $0x38;
	[tilespmem:$0x1C8E0] =	vst v63  }
0x24: {  	_ =	swait.ge [sflag:s18], $0x30E0  }
0x25: {  	[sflag:s18] =	ssyncset.done $0x0  }
0x26: {  	[sflag:s18] =	ssyncadd.s32 $0xFFFFCF20  }
0x27: {  	[spmem:s11] =	stream.linear.scatter [tilespmem:s17], [sflag:$0x2], $0x30E0, $0x38;
	[tilespmem:$0x1C8E0] =	vst v63  }
0x28: {  	_ =	swait.ge [sflag:s18], $0x30E0  }
0x29: {  	[sflag:s18] =	ssyncset.done $0x0  }
0x2a: {  	[sflag:s18] =	ssyncadd.s32 $0xFFFFCF20  }
0x2b: {  	[spmem:s12] =	stream.linear.scatter [tilespmem:s17], [sflag:$0x2], $0x30E0, $0x38;
	[tilespmem:$0x1C8E0] =	vst v63  }
0x2c: {  	_ =	swait.ge [sflag:s18], $0x30E0  }
0x2d: {  	[sflag:s18] =	ssyncset.done $0x0  }
0x2e: {  	[sflag:s18] =	ssyncadd.s32 $0xFFFFCF20  }
0x2f: {  	[spmem:s13] =	stream.linear.scatter [tilespmem:s17], [sflag:$0x2], $0x30E0, $0x38;
	[tilespmem:$0x1C8E0] =	vst v63  }
0x30: {  	_ =	swait.ge [sflag:s18], $0x30E0  }
0x31: {  	[sflag:s18] =	ssyncset.done $0x0  }
0x32: {  	[sflag:s18] =	ssyncadd.s32 $0xFFFFCF20  }
0x33: {  	[spmem:s14] =	stream.linear.scatter [tilespmem:s17], [sflag:$0x2], $0x30E0, $0x38;
	[tilespmem:$0x1C8E0] =	vst v63  }
0x34: {  	_ =	swait.ge [sflag:s18], $0x30E0  }
0x35: {  	p0 =	sgt.u32 s2, $0x1869;
	[sflag:s18] =	ssyncset.done $0x0  }
0x36: {  	s21 =	sadd.s32 @!p0 $0x0, s16;
	s22 =	simm.s32 @!p0 $0x0;
	[sflag:s18] =	ssyncadd.s32 $0xFFFFCF20  }
0x37: {  	s20 =	simm.s32 @!p0 $0x18700;
	s23 =	simm.s32 @!p0 $0x3;
	[bflag:$0x0] =	sbarrier.arrive $0xFFFF  }
0x38: {  	[tilespmem:s20], [sflag:$0x3] =	stream.linear.gather @!p0 [hbm4b:s21+s22], $0x80, $0x38;
	[tilespmem:$0x1C8E0] =	vst v63  }
0x39: {  	_ =	swait.ge @!p0 [sflag:s23], $0x80;
	p0 =	por p0, p0  }
0x3a: {  	[sflag:s23] =	ssyncset.done @!p0 $0x0  }
0x3b: {  	s24 =	sadd.s32 @!p0 $0x0, s15;
	s21 =	simm.s32 @!p0 $0x18780;
	[sflag:s23] =	ssyncadd.s32 @!p0 $0xFFFFFF80  }
0x3c: {  	[tilespmem:s21], [sflag:$0x3] =	stream.linear.gather @!p0 [hbm4b:s24+s22], $0x80, $0x38;
	[tilespmem:$0x1C8E0] =	vst v63  }
0x3d: {  	_ =	swait.ge @!p0 [sflag:s23], $0x80  }
0x3e: {  	[sflag:s23] =	ssyncset.done @!p0 $0x0  }
0x3f: {  	[sflag:s23] =	ssyncadd.s32 @!p0 $0xFFFFFF80  }
0x40: {  	v4 =	vld @!p0 [tilespmem:$0x18770]  }
0x41: {  	v5 =	vld @!p0 [tilespmem:$0x18750]  }
0x42: {  	v3 =	vld @!p0 [tilespmem:$0x18740]  }
0x43: {  	s22 =	simm.s32 $0x100;
	s23 =	stileid.u32;
	v2 =	vld @!p0 [tilespmem:$0x18700]  }
.LBB2_4:
0x44: {  	v6 =	vld @!p0 [tilespmem:$0x18710];
	s23 =	sadd.s32 $0x10, s23;
	s24 =	smov.u32 s22;
	s22 =	sadd.s32 $0x100, s22  }
0x45: {  	p1 =	sne.s32 s22, $0x18700;
	v7 =	vld @!p0 [tilespmem:$0x18720];
	v4 =	vadd.s32 @!p0 v0, v4  }
0x46: {  	v5 =	vadd.s32 @!p0 v0, v5;
	v8 =	vld @!p0 [tilespmem:$0x18760];
	[tilespmem:$0x18770] =	vst @!p0 v4  }
0x47: {  	v4 =	vld @!p0 [tilespmem:$0x18730];
	v3 =	vadd.s32 @!p0 v0, v3;
	[tilespmem:$0x18750] =	vst @!p0 v5  }
0x48: {  	v2 =	vadd.s32 @!p0 v0, v2;
	[tilespmem:$0x18740] =	vst @!p0 v3  }
0x49: {  	[tilespmem:$0x18700] =	vst @!p0 v2;
	v2 =	vadd.s32 @!p0 v0, v6  }
0x4a: {  	v3 =	vadd.s32 @!p0 v0, v7  }
0x4b: {  	[tilespmem:$0x18710] =	vst @!p0 v2;
	v2 =	vadd.s32 @!p0 v0, v8  }
0x4c: {  	[tilespmem:$0x18720] =	vst @!p0 v3;
	v3 =	vadd.s32 @!p0 v0, v4  }
0x4d: {  	s25 =	simm.s32 @!p0 $0x80;
	s26 =	simm.s32 @!p0 $0x18800;
	[tilespmem:$0x18730] =	vst @!p0 v3  }
0x4e: {  	s28 =	simm.s32 @!p0 $0x1;
	[tilespmem:$0x18760] =	vst @!p0 v2  }
0x4f: {  	[tilespmem:s26], [sflag:$0x1] =	stream.indirect.gather @!p0 [hbm4b:s4+s25], $0x20, s20, s25, $0xb8;
	[tilespmem:$0x1C8E0] =	vst v63  }
0x50: {  	_ =	swait.ge @!p0 [sflag:s28], $0x1000  }
0x51: {  	[sflag:s28] =	ssyncset.done @!p0 $0x0  }
0x52: {  	[sflag:s28] =	ssyncadd.s32 @!p0 $0xFFFFF000;
	s28 =	simm.s32 @!p0 $0x2  }
0x53: {  	[spmem:s1] =	stream.indirect.scatter.add.f32 @!p0 [tilespmem:s26], [sflag:$0x2], $0x20, s21, s25, $0xb8;
	[tilespmem:$0x1C8E0] =	vst v63  }
0x54: {  	p2 =	sgt.u32 s23, $0x1869;
	_ =	swait.ge @!p0 [sflag:s28], $0x1000  }
0x55: {  	s21 =	sadd.s32 @!p2 s24, s16;
	s25 =	simm.s32 @!p2 $0x0;
	[sflag:s28] =	ssyncset.done @!p0 $0x0  }
0x56: {  	s20 =	simm.s32 @!p2 $0x18700;
	s26 =	simm.s32 @!p2 $0x3;
	[sflag:s28] =	ssyncadd.s32 @!p0 $0xFFFFF000  }
0x57: {  	[tilespmem:s20], [sflag:$0x3] =	stream.linear.gather @!p2 [hbm4b:s21+s25], $0x80, $0x38;
	[tilespmem:$0x1C8E0] =	vst v63  }
0x58: {  	p0 =	por p2, p2;
	_ =	swait.ge @!p2 [sflag:s26], $0x80  }
0x59: {  	[sflag:s26] =	ssyncset.done @!p0 $0x0  }
0x5a: {  	s24 =	sadd.s32 @!p0 s24, s15;
	s21 =	simm.s32 @!p0 $0x18780;
	[sflag:s26] =	ssyncadd.s32 @!p0 $0xFFFFFF80  }
0x5b: {  	[tilespmem:s21], [sflag:$0x3] =	stream.linear.gather @!p0 [hbm4b:s24+s25], $0x80, $0x38;
	[tilespmem:$0x1C8E0] =	vst v63  }
0x5c: {  	_ =	swait.ge @!p0 [sflag:s26], $0x80  }
0x5d: {  	[sflag:s26] =	ssyncset.done @!p0 $0x0  }
.Ltmp1:
0x5e: {  	[sflag:s26] =	ssyncadd.s32 @!p0 $0xFFFFFF80;
	(pc) =	sbr.rel @p1 .LBB2_4-.Ltmp1, $4  }
0x5f: {  	v4 =	vld @!p0 [tilespmem:$0x18770]  }
0x60: {  	v5 =	vld @!p0 [tilespmem:$0x18750]  }
0x61: {  	v3 =	vld @!p0 [tilespmem:$0x18740]  }
0x62: {  	v2 =	vld @!p0 [tilespmem:$0x18700]  }
0x63: {  	v6 =	vld @!p0 [tilespmem:$0x18710]  }
0x64: {  	v7 =	vld @!p0 [tilespmem:$0x18720];
	v4 =	vadd.s32 @!p0 v0, v4  }
0x65: {  	v8 =	vld @!p0 [tilespmem:$0x18760];
	v5 =	vadd.s32 @!p0 v0, v5;
	[tilespmem:$0x18770] =	vst @!p0 v4  }
0x66: {  	v4 =	vld @!p0 [tilespmem:$0x18730];
	v3 =	vadd.s32 @!p0 v0, v3;
	[tilespmem:$0x18750] =	vst @!p0 v5  }
0x67: {  	v2 =	vadd.s32 @!p0 v0, v2;
	[tilespmem:$0x18740] =	vst @!p0 v3  }
0x68: {  	[tilespmem:$0x18700] =	vst @!p0 v2;
	v2 =	vadd.s32 @!p0 v0, v6  }
0x69: {  	v3 =	vadd.s32 @!p0 v0, v7;
	[tilespmem:$0x18710] =	vst @!p0 v2  }
0x6a: {  	[tilespmem:$0x18720] =	vst @!p0 v3;
	v3 =	vadd.s32 @!p0 v0, v8  }
0x6b: {  	v2 =	vadd.s32 @!p0 v0, v4;
	[tilespmem:$0x18760] =	vst @!p0 v3  }
0x6c: {  	s22 =	simm.s32 @!p0 $0x80;
	s23 =	simm.s32 @!p0 $0x18800;
	s24 =	simm.s32 @!p0 $0x1;
	[tilespmem:$0x18730] =	vst @!p0 v2  }
0x6d: {  	[tilespmem:s23], [sflag:$0x1] =	stream.indirect.gather @!p0 [hbm4b:s4+s22], $0x20, s20, s22, $0xb8;
	[tilespmem:$0x1C8E0] =	vst v63  }
0x6e: {  	_ =	swait.ge @!p0 [sflag:s24], $0x1000  }
0x6f: {  	[sflag:s24] =	ssyncset.done @!p0 $0x0  }
0x70: {  	s20 =	simm.s32 @!p0 $0x2;
	[sflag:s24] =	ssyncadd.s32 @!p0 $0xFFFFF000  }
0x71: {  	[spmem:s1] =	stream.indirect.scatter.add.f32 @!p0 [tilespmem:s23], [sflag:$0x2], $0x20, s21, s22, $0xb8;
	[tilespmem:$0x1C8E0] =	vst v63  }
0x72: {  	_ =	swait.ge @!p0 [sflag:s20], $0x1000  }
0x73: {  	s3 =	sadd.s32 $0x1, s3;
	[sflag:s20] =	ssyncset.done @!p0 $0x0  }
0x74: {  	s31 =	sshll.u32 s2, $0x6;
	[sflag:s20] =	ssyncadd.s32 @!p0 $0xFFFFF000;
	p0 =	sne.s32 s3, s6  }
.Ltmp2:
0x75: {  	s20 =	sor.u32 $0x1C02, s31;
	[bflag:$0x0] =	sbarrier.arrive $0xFFFF;
	(pc) =	sbr.rel @p0 .LBB2_1-.Ltmp2, $4  }
0x76: {  	[hbm:s5], [sflag:s20] =	dma.local [spmem:s19], $0x30E0  }
0x77: {  	_ =	swait.ge [sflag:s18], $0x30E0  }
0x78: {  	[sflag:s18] =	ssyncset.done $0x0  }
0x79: {  	[sflag:s18] =	ssyncadd.s32 $0xFFFFCF20  }
0x7a: {  	_ =	sfence.sel $0x180000  }
0x7b: {  	[bflag:$0x0] =	sbarrier.arrive $0xFFFF  }
0x7c: {  	p0 =	sne.s32 s2, $0x0;
	_ =	strace $0x9000004D  }
0x7d: {  	s0 =	sadd.s32 @!p0 $0x100000, s0;
	[bflag:$0x2] =	sbarrier.arrive $0xFFFF  }
0x7e: {  	[sflag:s0] =	ssyncadd.tile.s32 @!p0 $0x1;
	_ =	shalt  }
.Lfunc_end2:
_tile_overlayer_lowered:
.L_overlay_start_2:
0x7f: {  	(tag) =	ssettag $0x2  }
0x80: {  	s0 =	rddreg [dreg:$0x0];
	s2 =	stileid.u32  }
0x81: {  	s1 =	rddreg [dreg:$0x1];
	p0 =	sne.s32 s2, $0x0  }
0x82: {  	s3 =	rddreg [dreg:$0x2];
	[bflag:$0x3] =	sbarrier.arrive $0xFFFF;
	s2 =	simm.s32 @!p0 $0x1C02  }
0x83: {  	[timem:s3], [sflag:s2] =	dma.local @!p0 [hbm:s0], s1  }
0x84: {  	s0 =	simm.s32 @!p0 $0x2  }
0x85: {  	_ =	swait.ge @!p0 [sflag:s0], s1  }
0x86: {  	s1 =	ssub.s32 @!p0 $0x0, s1;
	[sflag:s0] =	ssyncset.done @!p0 $0x0  }
0x87: {  	[sflag:s0] =	ssyncadd.s32 @!p0 s1  }
0x88: {  	[bflag:$0x3] =	sbarrier.arrive $0xFFFF  }
0x89: {  	_ =	shalt  }

</sc_bundles>
